<compile_context>
chip_gen: v7x
topology: tpu7x:2x2x1
jax: 0.10.2.dev20260603
libtpu: 0.0.44.dev20260713+nightly
codegen_flags: <defaults>
</compile_context>

<pallas_src>
import functools
import math

import jax
import jax.numpy as jnp
from jax import lax
from jax.experimental import pallas as pl
from jax.experimental.pallas import tpu as pltpu
from jax.experimental.pallas import tpu_sc as plsc

_EPS = 1e-5
_NW = 32
_CHUNK = 1024
_SUB = 128
_DP = 56


def _make_gather(BF):
    per_w = BF // _NW
    nch = per_w // _CHUNK
    nsub = _CHUNK // _SUB
    mesh = plsc.VectorSubcoreMesh(core_axis_name="c", subcore_axis_name="s")

    @functools.partial(
        pl.kernel,
        mesh=mesh,
        compiler_params=pltpu.CompilerParams(use_tc_tiling_on_sc=False),
        out_type=jax.ShapeDtypeStruct((BF, _DP), jnp.float32),
        scratch_types=[
            pltpu.VMEM((_CHUNK,), jnp.int32),
            pltpu.VMEM((_CHUNK,), jnp.int32),
            pltpu.VMEM((nsub, _SUB), jnp.int32),
            pltpu.VMEM((_CHUNK, _DP), jnp.float32),
            pltpu.SemaphoreType.DMA,
        ],
    )
    def gather_k(tab, xf, off, out, xv, ov, iv, rows, sem):
        wid = lax.axis_index("s") * 2 + lax.axis_index("c")
        base = wid * per_w

        def chunk_body(c, carry):
            cb = base + c * _CHUNK
            pltpu.sync_copy(xf.at[pl.ds(cb, _CHUNK)], xv)
            pltpu.sync_copy(off.at[pl.ds(cb, _CHUNK)], ov)
            for r in range(nsub):
                for k in range(_SUB // 16):
                    s = r * _SUB + k * 16
                    iv[r, pl.ds(k * 16, 16)] = (
                        xv[pl.ds(s, 16)] + ov[pl.ds(s, 16)]
                    )
            handles = [
                pltpu.async_copy(
                    tab.at[iv.at[r]], rows.at[pl.ds(r * _SUB, _SUB)], sem)
                for r in range(nsub)
            ]
            for h in handles:
                h.wait()
            pltpu.sync_copy(rows, out.at[pl.ds(cb, _CHUNK)])
            return carry

        lax.fori_loop(0, nch, chunk_body, 0)

    return gather_k


def _mlp(g2d, W1f, c1, W2f, c2, W3f, c3):
    B, CAT = g2d.shape
    H = W1f.shape[1]
    BM = 512

    def body(g_ref, w1_ref, c1_ref, w2_ref, c2_ref, w3_ref, c3_ref, out_ref):
        h1 = jnp.maximum(
            jnp.dot(g_ref[...], w1_ref[...], preferred_element_type=jnp.float32)
            + c1_ref[...], 0.0)
        h2 = jnp.maximum(
            jnp.dot(h1, w2_ref[...], preferred_element_type=jnp.float32)
            + c2_ref[...], 0.0)
        l = (jnp.dot(h2, w3_ref[...], preferred_element_type=jnp.float32)
             + c3_ref[...])
        m = jnp.max(l, axis=1, keepdims=True)
        e = jnp.exp(l - m)
        out_ref[...] = e / jnp.sum(e, axis=1, keepdims=True)

    return pl.pallas_call(
        body,
        grid=(B // BM,),
        in_specs=[
            pl.BlockSpec((BM, CAT), lambda i: (i, 0)),
            pl.BlockSpec((CAT, H), lambda i: (0, 0)),
            pl.BlockSpec((1, H), lambda i: (0, 0)),
            pl.BlockSpec((H, H), lambda i: (0, 0)),
            pl.BlockSpec((1, H), lambda i: (0, 0)),
            pl.BlockSpec((H, 2), lambda i: (0, 0)),
            pl.BlockSpec((1, 2), lambda i: (0, 0)),
        ],
        out_specs=pl.BlockSpec((BM, 2), lambda i: (i, 0)),
        out_shape=jax.ShapeDtypeStruct((B, 2), jnp.float32),
    )(g2d, W1f, c1, W2f, c2, W3f, c3)


def kernel(x, tables, bn0_g, bn0_b, W1, b1, bn1_g, bn1_b, W2, b2, bn2_g, bn2_b, W3, b3):
    F, V, D = tables.shape
    B = x.shape[0]
    BF = B * F

    tab56 = jnp.pad(tables.reshape(F * V, D), ((0, 0), (0, _DP - D)))
    xf = x.reshape(-1)
    off = jnp.tile(jnp.arange(F, dtype=jnp.int32) * V, B)

    gathered = _make_gather(BF)(tab56, xf, off)
    g2d = gathered.reshape(B, F * _DP)

    inv = 1.0 / math.sqrt(1.0 + _EPS)
    s0, t0 = bn0_g * inv, bn0_b
    s1, t1 = bn1_g * inv, bn1_b
    s2, t2 = bn2_g * inv, bn2_b
    H = W1.shape[1]
    W1f = (W1 * s0[:, None]).reshape(F, D, H)
    W1f = jnp.pad(W1f, ((0, 0), (0, _DP - D), (0, 0))).reshape(F * _DP, H)
    c1 = (t0 @ W1 + b1)[None, :]
    W2f = W2 * s1[:, None]
    c2 = (t1 @ W2 + b2)[None, :]
    W3f = W3 * s2[:, None]
    c3 = (t2 @ W3 + b3)[None, :]

    return _mlp(g2d, W1f, c1, W2f, c2, W3f, c3)

# --- scband reference (transcript-rebuilt; emitter-appended) ---
"""Pipeline reference for scband-embeddings-nn-79474074845341 (READ-ONLY COPY).

The authoritative reference and input builder live on the scoring server;
editing this copy changes nothing except your own understanding.
"""

import jax, jax.numpy as jnp
import numpy as np

B = 16384
F = 26
V = 100001  # num_unique + 1 rows per table
D = 50      # min(ceil(100000/2), 50)
CAT = F * D  # 1300
H = 300
EPS = 1e-5


def setup_inputs(seed: int = 0) -> dict:
    key = jax.random.key(seed)
    ks = jax.random.split(key, 16)
    x = jax.random.randint(ks[0], (B, F), 0, 100000, dtype=jnp.int32)
    tables = jax.random.normal(ks[1], (F, V, D), dtype=jnp.float32)
    bn0_g = jnp.ones((CAT,), dtype=jnp.float32)
    bn0_b = jnp.zeros((CAT,), dtype=jnp.float32)
    W1 = jax.random.normal(ks[2], (CAT, H), dtype=jnp.float32) * (1.0 / np.sqrt(CAT))
    b1 = jnp.zeros((H,), dtype=jnp.float32)
    bn1_g = jnp.ones((H,), dtype=jnp.float32)
    bn1_b = jnp.zeros((H,), dtype=jnp.float32)
    W2 = jax.random.normal(ks[3], (H, H), dtype=jnp.float32) * (1.0 / np.sqrt(H))
    b2 = jnp.zeros((H,), dtype=jnp.float32)
    bn2_g = jnp.ones((H,), dtype=jnp.float32)
    bn2_b = jnp.zeros((H,), dtype=jnp.float32)
    W3 = jax.random.normal(ks[4], (H, 2), dtype=jnp.float32) * (1.0 / np.sqrt(H))
    b3 = jnp.zeros((2,), dtype=jnp.float32)
    return {"x": x, "tables": tables, "bn0_g": bn0_g, "bn0_b": bn0_b,
            "W1": W1, "b1": b1, "bn1_g": bn1_g, "bn1_b": bn1_b,
            "W2": W2, "b2": b2, "bn2_g": bn2_g, "bn2_b": bn2_b,
            "W3": W3, "b3": b3}


def _bn_eval(h, g, b):
    # eval-mode BatchNorm1d with running_mean=0, running_var=1
    return (h - 0.0) / jnp.sqrt(1.0 + EPS) * g + b


def reference(x, tables, bn0_g, bn0_b, W1, b1, bn1_g, bn1_b, W2, b2, bn2_g, bn2_b, W3, b3):
    # per-field embedding gather: tables[i][x[:, i]] -> [B, F, D]
    gathered = jax.vmap(lambda t, idx: jnp.take(t, idx, axis=0), in_axes=(0, 1), out_axes=1)(tables, x)
    h = gathered.reshape(gathered.shape[0], F * D)
    # Dropout1d layers are identity in eval mode
    h = _bn_eval(h, bn0_g, bn0_b)
    h = jnp.maximum(h @ W1 + b1, 0.0)
    h = _bn_eval(h, bn1_g, bn1_b)
    h = jnp.maximum(h @ W2 + b2, 0.0)
    h = _bn_eval(h, bn2_g, bn2_b)
    logits = h @ W3 + b3
    return jax.nn.softmax(logits, axis=-1)

if __name__ == "__main__":
    import jax
    _d = setup_inputs()
    print(jax.jit(kernel)(*tuple(_d.values())))

</pallas_src>

<mosaic_0001>
#map = affine_map<(d0, d1) -> (0, 0)>
#map1 = affine_map<(d0, d1) -> (0)>
module attributes {stable_mosaic.version = 14 : i64} {
  func.func @gather_k(%arg0: i32, %arg1: i32, %arg2: memref<2600026x56xf32, #tpu.memory_space<hbm>>, %arg3: memref<425984xi32, #tpu.memory_space<hbm>>, %arg4: memref<425984xi32, #tpu.memory_space<hbm>>, %arg5: memref<425984x56xf32, #tpu.memory_space<hbm>>, %arg6: memref<1024xi32, #tpu.memory_space<vmem>>, %arg7: memref<1024xi32, #tpu.memory_space<vmem>>, %arg8: memref<8x128xi32, #tpu.memory_space<vmem>>, %arg9: memref<1024x56xf32, #tpu.memory_space<vmem>>, %arg10: memref<!tpu.dma_semaphore, #tpu.memory_space<semaphore_mem>>) attributes {dimension_semantics = [#tpu.dimension_semantics<core_parallel>, #tpu.dimension_semantics<subcore_parallel>], iteration_bounds = array<i64: 2, 16>, scalar_prefetch = 0 : i64, scratch_operands = 5 : i64, tpu.core_type = #tpu.core_type<sc_vector_subcore>, window_params = [{transform_indices = #map}, {transform_indices = #map1}, {transform_indices = #map1}, {transform_indices = #map}]} {
    %mul3A = arith.constant 2 : i32
    %mul3A_0 = arith.muli %arg1, %mul3A : i32
    %add3A = arith.addi %mul3A_0, %arg0 : i32
    %mul3A_1 = arith.constant 13312 : i32
    %mul3A_2 = arith.muli %add3A, %mul3A_1 : i32
    %scan3A = arith.constant 0 : i32
    %scan3A_3 = arith.constant 0 : i32
    %scan3A_4 = arith.constant 13 : i32
    %scan3A_5 = arith.addi %scan3A_3, %scan3A_4 : i32
    %scan3A_6 = arith.constant 1 : i32
    scf.for %scan3A_8 = %scan3A_3 to %scan3A_5 step %scan3A_6  : i32 {
      %mul3A_9 = arith.constant 1024 : i32
      %mul3A_10 = arith.muli %scan3A_8, %mul3A_9 : i32
      %add3A_11 = arith.addi %mul3A_2, %mul3A_10 : i32
      "tpu.region"() ({
        %run_scoped3A = tpu.sem_alloc : memref<!tpu.dma_semaphore, #tpu.memory_space<semaphore_mem>>
        %dma_start3A_1000 = tpu.memref_slice %arg3[%add3A_11] : memref<425984xi32, #tpu.memory_space<hbm>> -> memref<1024xi32, #tpu.memory_space<hbm>>
        %dma_start3A_1001 = tpu.memref_slice %arg3[%add3A_11] : memref<425984xi32, #tpu.memory_space<hbm>> -> memref<1024xi32, #tpu.memory_space<hbm>>
        tpu.enqueue_dma source(%dma_start3A_1001 : memref<1024xi32, #tpu.memory_space<hbm>>) target(%arg6 : memref<1024xi32, #tpu.memory_space<vmem>>) target_semaphore(%run_scoped3A : memref<!tpu.dma_semaphore, #tpu.memory_space<semaphore_mem>>)
        %dma_wait3A_1002 = tpu.memref_slice %arg3[%add3A_11] : memref<425984xi32, #tpu.memory_space<hbm>> -> memref<1024xi32, #tpu.memory_space<hbm>>
        %dma_wait3A_1003 = tpu.memref_slice %arg3[%add3A_11] : memref<425984xi32, #tpu.memory_space<hbm>> -> memref<1024xi32, #tpu.memory_space<hbm>>
        tpu.wait_dma2 semaphore(%run_scoped3A : memref<!tpu.dma_semaphore, #tpu.memory_space<semaphore_mem>>) src(%dma_wait3A_1003 : memref<1024xi32, #tpu.memory_space<hbm>>) dst(%arg6 : memref<1024xi32, #tpu.memory_space<vmem>>)
        tpu.yield
      }) : () -> ()
      "tpu.region"() ({
        %run_scoped3A = tpu.sem_alloc : memref<!tpu.dma_semaphore, #tpu.memory_space<semaphore_mem>>
        %dma_start3A_1000 = tpu.memref_slice %arg4[%add3A_11] : memref<425984xi32, #tpu.memory_space<hbm>> -> memref<1024xi32, #tpu.memory_space<hbm>>
        %dma_start3A_1001 = tpu.memref_slice %arg4[%add3A_11] : memref<425984xi32, #tpu.memory_space<hbm>> -> memref<1024xi32, #tpu.memory_space<hbm>>
        tpu.enqueue_dma source(%dma_start3A_1001 : memref<1024xi32, #tpu.memory_space<hbm>>) target(%arg7 : memref<1024xi32, #tpu.memory_space<vmem>>) target_semaphore(%run_scoped3A : memref<!tpu.dma_semaphore, #tpu.memory_space<semaphore_mem>>)
        %dma_wait3A_1002 = tpu.memref_slice %arg4[%add3A_11] : memref<425984xi32, #tpu.memory_space<hbm>> -> memref<1024xi32, #tpu.memory_space<hbm>>
        %dma_wait3A_1003 = tpu.memref_slice %arg4[%add3A_11] : memref<425984xi32, #tpu.memory_space<hbm>> -> memref<1024xi32, #tpu.memory_space<hbm>>
        tpu.wait_dma2 semaphore(%run_scoped3A : memref<!tpu.dma_semaphore, #tpu.memory_space<semaphore_mem>>) src(%dma_wait3A_1003 : memref<1024xi32, #tpu.memory_space<hbm>>) dst(%arg7 : memref<1024xi32, #tpu.memory_space<vmem>>)
        tpu.yield
      }) : () -> ()
      %get3A = arith.constant 0 : index
      %get3A_12 = tpu.vector_load %arg6[%get3A] {strides = array<i32>} : memref<1024xi32, #tpu.memory_space<vmem>>, vector<16xi32>,
      %get3A_13 = vector.shape_cast %get3A_12 : vector<16xi32> to vector<16xi32>
      %get3A_14 = arith.constant 0 : index
      %get3A_15 = tpu.vector_load %arg7[%get3A_14] {strides = array<i32>} : memref<1024xi32, #tpu.memory_space<vmem>>, vector<16xi32>,
      %get3A_16 = vector.shape_cast %get3A_15 : vector<16xi32> to vector<16xi32>
      %add3A_17 = arith.addi %get3A_13, %get3A_16 : vector<16xi32>
      %swap3A = arith.constant 0 : i32
      %swap3A_18 = arith.index_cast %swap3A : i32 to index
      %swap3A_19 = arith.constant 0 : index
      %swap3A_20 = tpu.vector_load %arg8[%swap3A_18, %swap3A_19] {strides = array<i32>} : memref<8x128xi32, #tpu.memory_space<vmem>>, vector<1x16xi32>,
      %swap3A_21 = vector.shape_cast %swap3A_20 : vector<1x16xi32> to vector<16xi32>
      %swap3A_22 = vector.shape_cast %add3A_17 : vector<16xi32> to vector<1x16xi32>
      tpu.vector_store %arg8[%swap3A_18, %swap3A_19], %swap3A_22 {strides = array<i32>} : memref<8x128xi32, #tpu.memory_space<vmem>>, vector<1x16xi32>,
      %get3A_23 = arith.constant 16 : index
      %get3A_24 = tpu.vector_load %arg6[%get3A_23] {strides = array<i32>} : memref<1024xi32, #tpu.memory_space<vmem>>, vector<16xi32>,
      %get3A_25 = vector.shape_cast %get3A_24 : vector<16xi32> to vector<16xi32>
      %get3A_26 = arith.constant 16 : index
      %get3A_27 = tpu.vector_load %arg7[%get3A_26] {strides = array<i32>} : memref<1024xi32, #tpu.memory_space<vmem>>, vector<16xi32>,
      %get3A_28 = vector.shape_cast %get3A_27 : vector<16xi32> to vector<16xi32>
      %add3A_29 = arith.addi %get3A_25, %get3A_28 : vector<16xi32>
      %swap3A_30 = arith.constant 0 : i32
      %swap3A_31 = arith.index_cast %swap3A_30 : i32 to index
      %swap3A_32 = arith.constant 16 : index
      %swap3A_33 = tpu.vector_load %arg8[%swap3A_31, %swap3A_32] {strides = array<i32>} : memref<8x128xi32, #tpu.memory_space<vmem>>, vector<1x16xi32>,
      %swap3A_34 = vector.shape_cast %swap3A_33 : vector<1x16xi32> to vector<16xi32>
      %swap3A_35 = vector.shape_cast %add3A_29 : vector<16xi32> to vector<1x16xi32>
      tpu.vector_store %arg8[%swap3A_31, %swap3A_32], %swap3A_35 {strides = array<i32>} : memref<8x128xi32, #tpu.memory_space<vmem>>, vector<1x16xi32>,
      %get3A_36 = arith.constant 32 : index
      %get3A_37 = tpu.vector_load %arg6[%get3A_36] {strides = array<i32>} : memref<1024xi32, #tpu.memory_space<vmem>>, vector<16xi32>,
      %get3A_38 = vector.shape_cast %get3A_37 : vector<16xi32> to vector<16xi32>
      %get3A_39 = arith.constant 32 : index
      %get3A_40 = tpu.vector_load %arg7[%get3A_39] {strides = array<i32>} : memref<1024xi32, #tpu.memory_space<vmem>>, vector<16xi32>,
      %get3A_41 = vector.shape_cast %get3A_40 : vector<16xi32> to vector<16xi32>
      %add3A_42 = arith.addi %get3A_38, %get3A_41 : vector<16xi32>
      %swap3A_43 = arith.constant 0 : i32
      %swap3A_44 = arith.index_cast %swap3A_43 : i32 to index
      %swap3A_45 = arith.constant 32 : index
      %swap3A_46 = tpu.vector_load %arg8[%swap3A_44, %swap3A_45] {strides = array<i32>} : memref<8x128xi32, #tpu.memory_space<vmem>>, vector<1x16xi32>,
      %swap3A_47 = vector.shape_cast %swap3A_46 : vector<1x16xi32> to vector<16xi32>
      %swap3A_48 = vector.shape_cast %add3A_42 : vector<16xi32> to vector<1x16xi32>
      tpu.vector_store %arg8[%swap3A_44, %swap3A_45], %swap3A_48 {strides = array<i32>} : memref<8x128xi32, #tpu.memory_space<vmem>>, vector<1x16xi32>,
      %get3A_49 = arith.constant 48 : index
      %get3A_50 = tpu.vector_load %arg6[%get3A_49] {strides = array<i32>} : memref<1024xi32, #tpu.memory_space<vmem>>, vector<16xi32>,
      %get3A_51 = vector.shape_cast %get3A_50 : vector<16xi32> to vector<16xi32>
      %get3A_52 = arith.constant 48 : index
      %get3A_53 = tpu.vector_load %arg7[%get3A_52] {strides = array<i32>} : memref<1024xi32, #tpu.memory_space<vmem>>, vector<16xi32>,
      %get3A_54 = vector.shape_cast %get3A_53 : vector<16xi32> to vector<16xi32>
      %add3A_55 = arith.addi %get3A_51, %get3A_54 : vector<16xi32>
      %swap3A_56 = arith.constant 0 : i32
      %swap3A_57 = arith.index_cast %swap3A_56 : i32 to index
      %swap3A_58 = arith.constant 48 : index
      %swap3A_59 = tpu.vector_load %arg8[%swap3A_57, %swap3A_58] {strides = array<i32>} : memref<8x128xi32, #tpu.memory_space<vmem>>, vector<1x16xi32>,
      %swap3A_60 = vector.shape_cast %swap3A_59 : vector<1x16xi32> to vector<16xi32>
      %swap3A_61 = vector.shape_cast %add3A_55 : vector<16xi32> to vector<1x16xi32>
      tpu.vector_store %arg8[%swap3A_57, %swap3A_58], %swap3A_61 {strides = array<i32>} : memref<8x128xi32, #tpu.memory_space<vmem>>, vector<1x16xi32>,
      %get3A_62 = arith.constant 64 : index
      %get3A_63 = tpu.vector_load %arg6[%get3A_62] {strides = array<i32>} : memref<1024xi32, #tpu.memory_space<vmem>>, vector<16xi32>,
      %get3A_64 = vector.shape_cast %get3A_63 : vector<16xi32> to vector<16xi32>
      %get3A_65 = arith.constant 64 : index
      %get3A_66 = tpu.vector_load %arg7[%get3A_65] {strides = array<i32>} : memref<1024xi32, #tpu.memory_space<vmem>>, vector<16xi32>,
      %get3A_67 = vector.shape_cast %get3A_66 : vector<16xi32> to vector<16xi32>
      %add3A_68 = arith.addi %get3A_64, %get3A_67 : vector<16xi32>
      %swap3A_69 = arith.constant 0 : i32
      %swap3A_70 = arith.index_cast %swap3A_69 : i32 to index
      %swap3A_71 = arith.constant 64 : index
      %swap3A_72 = tpu.vector_load %arg8[%swap3A_70, %swap3A_71] {strides = array<i32>} : memref<8x128xi32, #tpu.memory_space<vmem>>, vector<1x16xi32>,
      %swap3A_73 = vector.shape_cast %swap3A_72 : vector<1x16xi32> to vector<16xi32>
      %swap3A_74 = vector.shape_cast %add3A_68 : vector<16xi32> to vector<1x16xi32>
      tpu.vector_store %arg8[%swap3A_70, %swap3A_71], %swap3A_74 {strides = array<i32>} : memref<8x128xi32, #tpu.memory_space<vmem>>, vector<1x16xi32>,
      %get3A_75 = arith.constant 80 : index
      %get3A_76 = tpu.vector_load %arg6[%get3A_75] {strides = array<i32>} : memref<1024xi32, #tpu.memory_space<vmem>>, vector<16xi32>,
      %get3A_77 = vector.shape_cast %get3A_76 : vector<16xi32> to vector<16xi32>
      %get3A_78 = arith.constant 80 : index
      %get3A_79 = tpu.vector_load %arg7[%get3A_78] {strides = array<i32>} : memref<1024xi32, #tpu.memory_space<vmem>>, vector<16xi32>,
      %get3A_80 = vector.shape_cast %get3A_79 : vector<16xi32> to vector<16xi32>
      %add3A_81 = arith.addi %get3A_77, %get3A_80 : vector<16xi32>
      %swap3A_82 = arith.constant 0 : i32
      %swap3A_83 = arith.index_cast %swap3A_82 : i32 to index
      %swap3A_84 = arith.constant 80 : index
      %swap3A_85 = tpu.vector_load %arg8[%swap3A_83, %swap3A_84] {strides = array<i32>} : memref<8x128xi32, #tpu.memory_space<vmem>>, vector<1x16xi32>,
      %swap3A_86 = vector.shape_cast %swap3A_85 : vector<1x16xi32> to vector<16xi32>
      %swap3A_87 = vector.shape_cast %add3A_81 : vector<16xi32> to vector<1x16xi32>
      tpu.vector_store %arg8[%swap3A_83, %swap3A_84], %swap3A_87 {strides = array<i32>} : memref<8x128xi32, #tpu.memory_space<vmem>>, vector<1x16xi32>,
      %get3A_88 = arith.constant 96 : index
      %get3A_89 = tpu.vector_load %arg6[%get3A_88] {strides = array<i32>} : memref<1024xi32, #tpu.memory_space<vmem>>, vector<16xi32>,
      %get3A_90 = vector.shape_cast %get3A_89 : vector<16xi32> to vector<16xi32>
      %get3A_91 = arith.constant 96 : index
      %get3A_92 = tpu.vector_load %arg7[%get3A_91] {strides = array<i32>} : memref<1024xi32, #tpu.memory_space<vmem>>, vector<16xi32>,
      %get3A_93 = vector.shape_cast %get3A_92 : vector<16xi32> to vector<16xi32>
      %add3A_94 = arith.addi %get3A_90, %get3A_93 : vector<16xi32>
      %swap3A_95 = arith.constant 0 : i32
      %swap3A_96 = arith.index_cast %swap3A_95 : i32 to index
      %swap3A_97 = arith.constant 96 : index
      %swap3A_98 = tpu.vector_load %arg8[%swap3A_96, %swap3A_97] {strides = array<i32>} : memref<8x128xi32, #tpu.memory_space<vmem>>, vector<1x16xi32>,
      %swap3A_99 = vector.shape_cast %swap3A_98 : vector<1x16xi32> to vector<16xi32>
      %swap3A_100 = vector.shape_cast %add3A_94 : vector<16xi32> to vector<1x16xi32>
      tpu.vector_store %arg8[%swap3A_96, %swap3A_97], %swap3A_100 {strides = array<i32>} : memref<8x128xi32, #tpu.memory_space<vmem>>, vector<1x16xi32>,
      %get3A_101 = arith.constant 112 : index
      %get3A_102 = tpu.vector_load %arg6[%get3A_101] {strides = array<i32>} : memref<1024xi32, #tpu.memory_space<vmem>>, vector<16xi32>,
      %get3A_103 = vector.shape_cast %get3A_102 : vector<16xi32> to vector<16xi32>
      %get3A_104 = arith.constant 112 : index
      %get3A_105 = tpu.vector_load %arg7[%get3A_104] {strides = array<i32>} : memref<1024xi32, #tpu.memory_space<vmem>>, vector<16xi32>,
      %get3A_106 = vector.shape_cast %get3A_105 : vector<16xi32> to vector<16xi32>
      %add3A_107 = arith.addi %get3A_103, %get3A_106 : vector<16xi32>
      %swap3A_108 = arith.constant 0 : i32
      %swap3A_109 = arith.index_cast %swap3A_108 : i32 to index
      %swap3A_110 = arith.constant 112 : index
      %swap3A_111 = tpu.vector_load %arg8[%swap3A_109, %swap3A_110] {strides = array<i32>} : memref<8x128xi32, #tpu.memory_space<vmem>>, vector<1x16xi32>,
      %swap3A_112 = vector.shape_cast %swap3A_111 : vector<1x16xi32> to vector<16xi32>
      %swap3A_113 = vector.shape_cast %add3A_107 : vector<16xi32> to vector<1x16xi32>
      tpu.vector_store %arg8[%swap3A_109, %swap3A_110], %swap3A_113 {strides = array<i32>} : memref<8x128xi32, #tpu.memory_space<vmem>>, vector<1x16xi32>,
      %get3A_114 = arith.constant 128 : index
      %get3A_115 = tpu.vector_load %arg6[%get3A_114] {strides = array<i32>} : memref<1024xi32, #tpu.memory_space<vmem>>, vector<16xi32>,
      %get3A_116 = vector.shape_cast %get3A_115 : vector<16xi32> to vector<16xi32>
      %get3A_117 = arith.constant 128 : index
      %get3A_118 = tpu.vector_load %arg7[%get3A_117] {strides = array<i32>} : memref<1024xi32, #tpu.memory_space<vmem>>, vector<16xi32>,
      %get3A_119 = vector.shape_cast %get3A_118 : vector<16xi32> to vector<16xi32>
      %add3A_120 = arith.addi %get3A_116, %get3A_119 : vector<16xi32>
      %swap3A_121 = arith.constant 1 : i32
      %swap3A_122 = arith.index_cast %swap3A_121 : i32 to index
      %swap3A_123 = arith.constant 0 : index
      %swap3A_124 = tpu.vector_load %arg8[%swap3A_122, %swap3A_123] {strides = array<i32>} : memref<8x128xi32, #tpu.memory_space<vmem>>, vector<1x16xi32>,
      %swap3A_125 = vector.shape_cast %swap3A_124 : vector<1x16xi32> to vector<16xi32>
      %swap3A_126 = vector.shape_cast %add3A_120 : vector<16xi32> to vector<1x16xi32>
      tpu.vector_store %arg8[%swap3A_122, %swap3A_123], %swap3A_126 {strides = array<i32>} : memref<8x128xi32, #tpu.memory_space<vmem>>, vector<1x16xi32>,
      %get3A_127 = arith.constant 144 : index
      %get3A_128 = tpu.vector_load %arg6[%get3A_127] {strides = array<i32>} : memref<1024xi32, #tpu.memory_space<vmem>>, vector<16xi32>,
      %get3A_129 = vector.shape_cast %get3A_128 : vector<16xi32> to vector<16xi32>
      %get3A_130 = arith.constant 144 : index
      %get3A_131 = tpu.vector_load %arg7[%get3A_130] {strides = array<i32>} : memref<1024xi32, #tpu.memory_space<vmem>>, vector<16xi32>,
      %get3A_132 = vector.shape_cast %get3A_131 : vector<16xi32> to vector<16xi32>
      %add3A_133 = arith.addi %get3A_129, %get3A_132 : vector<16xi32>
      %swap3A_134 = arith.constant 1 : i32
      %swap3A_135 = arith.index_cast %swap3A_134 : i32 to index
      %swap3A_136 = arith.constant 16 : index
      %swap3A_137 = tpu.vector_load %arg8[%swap3A_135, %swap3A_136] {strides = array<i32>} : memref<8x128xi32, #tpu.memory_space<vmem>>, vector<1x16xi32>,
      %swap3A_138 = vector.shape_cast %swap3A_137 : vector<1x16xi32> to vector<16xi32>
      %swap3A_139 = vector.shape_cast %add3A_133 : vector<16xi32> to vector<1x16xi32>
      tpu.vector_store %arg8[%swap3A_135, %swap3A_136], %swap3A_139 {strides = array<i32>} : memref<8x128xi32, #tpu.memory_space<vmem>>, vector<1x16xi32>,
      %get3A_140 = arith.constant 160 : index
      %get3A_141 = tpu.vector_load %arg6[%get3A_140] {strides = array<i32>} : memref<1024xi32, #tpu.memory_space<vmem>>, vector<16xi32>,
      %get3A_142 = vector.shape_cast %get3A_141 : vector<16xi32> to vector<16xi32>
      %get3A_143 = arith.constant 160 : index
      %get3A_144 = tpu.vector_load %arg7[%get3A_143] {strides = array<i32>} : memref<1024xi32, #tpu.memory_space<vmem>>, vector<16xi32>,
      %get3A_145 = vector.shape_cast %get3A_144 : vector<16xi32> to vector<16xi32>
      %add3A_146 = arith.addi %get3A_142, %get3A_145 : vector<16xi32>
      %swap3A_147 = arith.constant 1 : i32
      %swap3A_148 = arith.index_cast %swap3A_147 : i32 to index
      %swap3A_149 = arith.constant 32 : index
      %swap3A_150 = tpu.vector_load %arg8[%swap3A_148, %swap3A_149] {strides = array<i32>} : memref<8x128xi32, #tpu.memory_space<vmem>>, vector<1x16xi32>,
      %swap3A_151 = vector.shape_cast %swap3A_150 : vector<1x16xi32> to vector<16xi32>
      %swap3A_152 = vector.shape_cast %add3A_146 : vector<16xi32> to vector<1x16xi32>
      tpu.vector_store %arg8[%swap3A_148, %swap3A_149], %swap3A_152 {strides = array<i32>} : memref<8x128xi32, #tpu.memory_space<vmem>>, vector<1x16xi32>,
      %get3A_153 = arith.constant 176 : index
      %get3A_154 = tpu.vector_load %arg6[%get3A_153] {strides = array<i32>} : memref<1024xi32, #tpu.memory_space<vmem>>, vector<16xi32>,
      %get3A_155 = vector.shape_cast %get3A_154 : vector<16xi32> to vector<16xi32>
      %get3A_156 = arith.constant 176 : index
      %get3A_157 = tpu.vector_load %arg7[%get3A_156] {strides = array<i32>} : memref<1024xi32, #tpu.memory_space<vmem>>, vector<16xi32>,
      %get3A_158 = vector.shape_cast %get3A_157 : vector<16xi32> to vector<16xi32>
      %add3A_159 = arith.addi %get3A_155, %get3A_158 : vector<16xi32>
      %swap3A_160 = arith.constant 1 : i32
      %swap3A_161 = arith.index_cast %swap3A_160 : i32 to index
      %swap3A_162 = arith.constant 48 : index
      %swap3A_163 = tpu.vector_load %arg8[%swap3A_161, %swap3A_162] {strides = array<i32>} : memref<8x128xi32, #tpu.memory_space<vmem>>, vector<1x16xi32>,
      %swap3A_164 = vector.shape_cast %swap3A_163 : vector<1x16xi32> to vector<16xi32>
      %swap3A_165 = vector.shape_cast %add3A_159 : vector<16xi32> to vector<1x16xi32>
      tpu.vector_store %arg8[%swap3A_161, %swap3A_162], %swap3A_165 {strides = array<i32>} : memref<8x128xi32, #tpu.memory_space<vmem>>, vector<1x16xi32>,
      %get3A_166 = arith.constant 192 : index
      %get3A_167 = tpu.vector_load %arg6[%get3A_166] {strides = array<i32>} : memref<1024xi32, #tpu.memory_space<vmem>>, vector<16xi32>,
      %get3A_168 = vector.shape_cast %get3A_167 : vector<16xi32> to vector<16xi32>
      %get3A_169 = arith.constant 192 : index
      %get3A_170 = tpu.vector_load %arg7[%get3A_169] {strides = array<i32>} : memref<1024xi32, #tpu.memory_space<vmem>>, vector<16xi32>,
      %get3A_171 = vector.shape_cast %get3A_170 : vector<16xi32> to vector<16xi32>
      %add3A_172 = arith.addi %get3A_168, %get3A_171 : vector<16xi32>
      %swap3A_173 = arith.constant 1 : i32
      %swap3A_174 = arith.index_cast %swap3A_173 : i32 to index
      %swap3A_175 = arith.constant 64 : index
      %swap3A_176 = tpu.vector_load %arg8[%swap3A_174, %swap3A_175] {strides = array<i32>} : memref<8x128xi32, #tpu.memory_space<vmem>>, vector<1x16xi32>,
      %swap3A_177 = vector.shape_cast %swap3A_176 : vector<1x16xi32> to vector<16xi32>
      %swap3A_178 = vector.shape_cast %add3A_172 : vector<16xi32> to vector<1x16xi32>
      tpu.vector_store %arg8[%swap3A_174, %swap3A_175], %swap3A_178 {strides = array<i32>} : memref<8x128xi32, #tpu.memory_space<vmem>>, vector<1x16xi32>,
      %get3A_179 = arith.constant 208 : index
      %get3A_180 = tpu.vector_load %arg6[%get3A_179] {strides = array<i32>} : memref<1024xi32, #tpu.memory_space<vmem>>, vector<16xi32>,
      %get3A_181 = vector.shape_cast %get3A_180 : vector<16xi32> to vector<16xi32>
      %get3A_182 = arith.constant 208 : index
      %get3A_183 = tpu.vector_load %arg7[%get3A_182] {strides = array<i32>} : memref<1024xi32, #tpu.memory_space<vmem>>, vector<16xi32>,
      %get3A_184 = vector.shape_cast %get3A_183 : vector<16xi32> to vector<16xi32>
      %add3A_185 = arith.addi %get3A_181, %get3A_184 : vector<16xi32>
      %swap3A_186 = arith.constant 1 : i32
      %swap3A_187 = arith.index_cast %swap3A_186 : i32 to index
      %swap3A_188 = arith.constant 80 : index
      %swap3A_189 = tpu.vector_load %arg8[%swap3A_187, %swap3A_188] {strides = array<i32>} : memref<8x128xi32, #tpu.memory_space<vmem>>, vector<1x16xi32>,
      %swap3A_190 = vector.shape_cast %swap3A_189 : vector<1x16xi32> to vector<16xi32>
      %swap3A_191 = vector.shape_cast %add3A_185 : vector<16xi32> to vector<1x16xi32>
      tpu.vector_store %arg8[%swap3A_187, %swap3A_188], %swap3A_191 {strides = array<i32>} : memref<8x128xi32, #tpu.memory_space<vmem>>, vector<1x16xi32>,
      %get3A_192 = arith.constant 224 : index
      %get3A_193 = tpu.vector_load %arg6[%get3A_192] {strides = array<i32>} : memref<1024xi32, #tpu.memory_space<vmem>>, vector<16xi32>,
      %get3A_194 = vector.shape_cast %get3A_193 : vector<16xi32> to vector<16xi32>
      %get3A_195 = arith.constant 224 : index
      %get3A_196 = tpu.vector_load %arg7[%get3A_195] {strides = array<i32>} : memref<1024xi32, #tpu.memory_space<vmem>>, vector<16xi32>,
      %get3A_197 = vector.shape_cast %get3A_196 : vector<16xi32> to vector<16xi32>
      %add3A_198 = arith.addi %get3A_194, %get3A_197 : vector<16xi32>
      %swap3A_199 = arith.constant 1 : i32
      %swap3A_200 = arith.index_cast %swap3A_199 : i32 to index
      %swap3A_201 = arith.constant 96 : index
      %swap3A_202 = tpu.vector_load %arg8[%swap3A_200, %swap3A_201] {strides = array<i32>} : memref<8x128xi32, #tpu.memory_space<vmem>>, vector<1x16xi32>,
      %swap3A_203 = vector.shape_cast %swap3A_202 : vector<1x16xi32> to vector<16xi32>
      %swap3A_204 = vector.shape_cast %add3A_198 : vector<16xi32> to vector<1x16xi32>
      tpu.vector_store %arg8[%swap3A_200, %swap3A_201], %swap3A_204 {strides = array<i32>} : memref<8x128xi32, #tpu.memory_space<vmem>>, vector<1x16xi32>,
      %get3A_205 = arith.constant 240 : index
      %get3A_206 = tpu.vector_load %arg6[%get3A_205] {strides = array<i32>} : memref<1024xi32, #tpu.memory_space<vmem>>, vector<16xi32>,
      %get3A_207 = vector.shape_cast %get3A_206 : vector<16xi32> to vector<16xi32>
      %get3A_208 = arith.constant 240 : index
      %get3A_209 = tpu.vector_load %arg7[%get3A_208] {strides = array<i32>} : memref<1024xi32, #tpu.memory_space<vmem>>, vector<16xi32>,
      %get3A_210 = vector.shape_cast %get3A_209 : vector<16xi32> to vector<16xi32>
      %add3A_211 = arith.addi %get3A_207, %get3A_210 : vector<16xi32>
      %swap3A_212 = arith.constant 1 : i32
      %swap3A_213 = arith.index_cast %swap3A_212 : i32 to index
      %swap3A_214 = arith.constant 112 : index
      %swap3A_215 = tpu.vector_load %arg8[%swap3A_213, %swap3A_214] {strides = array<i32>} : memref<8x128xi32, #tpu.memory_space<vmem>>, vector<1x16xi32>,
      %swap3A_216 = vector.shape_cast %swap3A_215 : vector<1x16xi32> to vector<16xi32>
      %swap3A_217 = vector.shape_cast %add3A_211 : vector<16xi32> to vector<1x16xi32>
      tpu.vector_store %arg8[%swap3A_213, %swap3A_214], %swap3A_217 {strides = array<i32>} : memref<8x128xi32, #tpu.memory_space<vmem>>, vector<1x16xi32>,
      %get3A_218 = arith.constant 256 : index
      %get3A_219 = tpu.vector_load %arg6[%get3A_218] {strides = array<i32>} : memref<1024xi32, #tpu.memory_space<vmem>>, vector<16xi32>,
      %get3A_220 = vector.shape_cast %get3A_219 : vector<16xi32> to vector<16xi32>
      %get3A_221 = arith.constant 256 : index
      %get3A_222 = tpu.vector_load %arg7[%get3A_221] {strides = array<i32>} : memref<1024xi32, #tpu.memory_space<vmem>>, vector<16xi32>,
      %get3A_223 = vector.shape_cast %get3A_222 : vector<16xi32> to vector<16xi32>
      %add3A_224 = arith.addi %get3A_220, %get3A_223 : vector<16xi32>
      %swap3A_225 = arith.constant 2 : i32
      %swap3A_226 = arith.index_cast %swap3A_225 : i32 to index
      %swap3A_227 = arith.constant 0 : index
      %swap3A_228 = tpu.vector_load %arg8[%swap3A_226, %swap3A_227] {strides = array<i32>} : memref<8x128xi32, #tpu.memory_space<vmem>>, vector<1x16xi32>,
      %swap3A_229 = vector.shape_cast %swap3A_228 : vector<1x16xi32> to vector<16xi32>
      %swap3A_230 = vector.shape_cast %add3A_224 : vector<16xi32> to vector<1x16xi32>
      tpu.vector_store %arg8[%swap3A_226, %swap3A_227], %swap3A_230 {strides = array<i32>} : memref<8x128xi32, #tpu.memory_space<vmem>>, vector<1x16xi32>,
      %get3A_231 = arith.constant 272 : index
      %get3A_232 = tpu.vector_load %arg6[%get3A_231] {strides = array<i32>} : memref<1024xi32, #tpu.memory_space<vmem>>, vector<16xi32>,
      %get3A_233 = vector.shape_cast %get3A_232 : vector<16xi32> to vector<16xi32>
      %get3A_234 = arith.constant 272 : index
      %get3A_235 = tpu.vector_load %arg7[%get3A_234] {strides = array<i32>} : memref<1024xi32, #tpu.memory_space<vmem>>, vector<16xi32>,
      %get3A_236 = vector.shape_cast %get3A_235 : vector<16xi32> to vector<16xi32>
      %add3A_237 = arith.addi %get3A_233, %get3A_236 : vector<16xi32>
      %swap3A_238 = arith.constant 2 : i32
      %swap3A_239 = arith.index_cast %swap3A_238 : i32 to index
      %swap3A_240 = arith.constant 16 : index
      %swap3A_241 = tpu.vector_load %arg8[%swap3A_239, %swap3A_240] {strides = array<i32>} : memref<8x128xi32, #tpu.memory_space<vmem>>, vector<1x16xi32>,
      %swap3A_242 = vector.shape_cast %swap3A_241 : vector<1x16xi32> to vector<16xi32>
      %swap3A_243 = vector.shape_cast %add3A_237 : vector<16xi32> to vector<1x16xi32>
      tpu.vector_store %arg8[%swap3A_239, %swap3A_240], %swap3A_243 {strides = array<i32>} : memref<8x128xi32, #tpu.memory_space<vmem>>, vector<1x16xi32>,
      %get3A_244 = arith.constant 288 : index
      %get3A_245 = tpu.vector_load %arg6[%get3A_244] {strides = array<i32>} : memref<1024xi32, #tpu.memory_space<vmem>>, vector<16xi32>,
      %get3A_246 = vector.shape_cast %get3A_245 : vector<16xi32> to vector<16xi32>
      %get3A_247 = arith.constant 288 : index
      %get3A_248 = tpu.vector_load %arg7[%get3A_247] {strides = array<i32>} : memref<1024xi32, #tpu.memory_space<vmem>>, vector<16xi32>,
      %get3A_249 = vector.shape_cast %get3A_248 : vector<16xi32> to vector<16xi32>
      %add3A_250 = arith.addi %get3A_246, %get3A_249 : vector<16xi32>
      %swap3A_251 = arith.constant 2 : i32
      %swap3A_252 = arith.index_cast %swap3A_251 : i32 to index
      %swap3A_253 = arith.constant 32 : index
      %swap3A_254 = tpu.vector_load %arg8[%swap3A_252, %swap3A_253] {strides = array<i32>} : memref<8x128xi32, #tpu.memory_space<vmem>>, vector<1x16xi32>,
      %swap3A_255 = vector.shape_cast %swap3A_254 : vector<1x16xi32> to vector<16xi32>
      %swap3A_256 = vector.shape_cast %add3A_250 : vector<16xi32> to vector<1x16xi32>
      tpu.vector_store %arg8[%swap3A_252, %swap3A_253], %swap3A_256 {strides = array<i32>} : memref<8x128xi32, #tpu.memory_space<vmem>>, vector<1x16xi32>,
      %get3A_257 = arith.constant 304 : index
      %get3A_258 = tpu.vector_load %arg6[%get3A_257] {strides = array<i32>} : memref<1024xi32, #tpu.memory_space<vmem>>, vector<16xi32>,
      %get3A_259 = vector.shape_cast %get3A_258 : vector<16xi32> to vector<16xi32>
      %get3A_260 = arith.constant 304 : index
      %get3A_261 = tpu.vector_load %arg7[%get3A_260] {strides = array<i32>} : memref<1024xi32, #tpu.memory_space<vmem>>, vector<16xi32>,
      %get3A_262 = vector.shape_cast %get3A_261 : vector<16xi32> to vector<16xi32>
      %add3A_263 = arith.addi %get3A_259, %get3A_262 : vector<16xi32>
      %swap3A_264 = arith.constant 2 : i32
      %swap3A_265 = arith.index_cast %swap3A_264 : i32 to index
      %swap3A_266 = arith.constant 48 : index
      %swap3A_267 = tpu.vector_load %arg8[%swap3A_265, %swap3A_266] {strides = array<i32>} : memref<8x128xi32, #tpu.memory_space<vmem>>, vector<1x16xi32>,
      %swap3A_268 = vector.shape_cast %swap3A_267 : vector<1x16xi32> to vector<16xi32>
      %swap3A_269 = vector.shape_cast %add3A_263 : vector<16xi32> to vector<1x16xi32>
      tpu.vector_store %arg8[%swap3A_265, %swap3A_266], %swap3A_269 {strides = array<i32>} : memref<8x128xi32, #tpu.memory_space<vmem>>, vector<1x16xi32>,
      %get3A_270 = arith.constant 320 : index
      %get3A_271 = tpu.vector_load %arg6[%get3A_270] {strides = array<i32>} : memref<1024xi32, #tpu.memory_space<vmem>>, vector<16xi32>,
      %get3A_272 = vector.shape_cast %get3A_271 : vector<16xi32> to vector<16xi32>
      %get3A_273 = arith.constant 320 : index
      %get3A_274 = tpu.vector_load %arg7[%get3A_273] {strides = array<i32>} : memref<1024xi32, #tpu.memory_space<vmem>>, vector<16xi32>,
      %get3A_275 = vector.shape_cast %get3A_274 : vector<16xi32> to vector<16xi32>
      %add3A_276 = arith.addi %get3A_272, %get3A_275 : vector<16xi32>
      %swap3A_277 = arith.constant 2 : i32
      %swap3A_278 = arith.index_cast %swap3A_277 : i32 to index
      %swap3A_279 = arith.constant 64 : index
      %swap3A_280 = tpu.vector_load %arg8[%swap3A_278, %swap3A_279] {strides = array<i32>} : memref<8x128xi32, #tpu.memory_space<vmem>>, vector<1x16xi32>,
      %swap3A_281 = vector.shape_cast %swap3A_280 : vector<1x16xi32> to vector<16xi32>
      %swap3A_282 = vector.shape_cast %add3A_276 : vector<16xi32> to vector<1x16xi32>
      tpu.vector_store %arg8[%swap3A_278, %swap3A_279], %swap3A_282 {strides = array<i32>} : memref<8x128xi32, #tpu.memory_space<vmem>>, vector<1x16xi32>,
      %get3A_283 = arith.constant 336 : index
      %get3A_284 = tpu.vector_load %arg6[%get3A_283] {strides = array<i32>} : memref<1024xi32, #tpu.memory_space<vmem>>, vector<16xi32>,
      %get3A_285 = vector.shape_cast %get3A_284 : vector<16xi32> to vector<16xi32>
      %get3A_286 = arith.constant 336 : index
      %get3A_287 = tpu.vector_load %arg7[%get3A_286] {strides = array<i32>} : memref<1024xi32, #tpu.memory_space<vmem>>, vector<16xi32>,
      %get3A_288 = vector.shape_cast %get3A_287 : vector<16xi32> to vector<16xi32>
      %add3A_289 = arith.addi %get3A_285, %get3A_288 : vector<16xi32>
      %swap3A_290 = arith.constant 2 : i32
      %swap3A_291 = arith.index_cast %swap3A_290 : i32 to index
      %swap3A_292 = arith.constant 80 : index
      %swap3A_293 = tpu.vector_load %arg8[%swap3A_291, %swap3A_292] {strides = array<i32>} : memref<8x128xi32, #tpu.memory_space<vmem>>, vector<1x16xi32>,
      %swap3A_294 = vector.shape_cast %swap3A_293 : vector<1x16xi32> to vector<16xi32>
      %swap3A_295 = vector.shape_cast %add3A_289 : vector<16xi32> to vector<1x16xi32>
      tpu.vector_store %arg8[%swap3A_291, %swap3A_292], %swap3A_295 {strides = array<i32>} : memref<8x128xi32, #tpu.memory_space<vmem>>, vector<1x16xi32>,
      %get3A_296 = arith.constant 352 : index
      %get3A_297 = tpu.vector_load %arg6[%get3A_296] {strides = array<i32>} : memref<1024xi32, #tpu.memory_space<vmem>>, vector<16xi32>,
      %get3A_298 = vector.shape_cast %get3A_297 : vector<16xi32> to vector<16xi32>
      %get3A_299 = arith.constant 352 : index
      %get3A_300 = tpu.vector_load %arg7[%get3A_299] {strides = array<i32>} : memref<1024xi32, #tpu.memory_space<vmem>>, vector<16xi32>,
      %get3A_301 = vector.shape_cast %get3A_300 : vector<16xi32> to vector<16xi32>
      %add3A_302 = arith.addi %get3A_298, %get3A_301 : vector<16xi32>
      %swap3A_303 = arith.constant 2 : i32
      %swap3A_304 = arith.index_cast %swap3A_303 : i32 to index
      %swap3A_305 = arith.constant 96 : index
      %swap3A_306 = tpu.vector_load %arg8[%swap3A_304, %swap3A_305] {strides = array<i32>} : memref<8x128xi32, #tpu.memory_space<vmem>>, vector<1x16xi32>,
      %swap3A_307 = vector.shape_cast %swap3A_306 : vector<1x16xi32> to vector<16xi32>
      %swap3A_308 = vector.shape_cast %add3A_302 : vector<16xi32> to vector<1x16xi32>
      tpu.vector_store %arg8[%swap3A_304, %swap3A_305], %swap3A_308 {strides = array<i32>} : memref<8x128xi32, #tpu.memory_space<vmem>>, vector<1x16xi32>,
      %get3A_309 = arith.constant 368 : index
      %get3A_310 = tpu.vector_load %arg6[%get3A_309] {strides = array<i32>} : memref<1024xi32, #tpu.memory_space<vmem>>, vector<16xi32>,
      %get3A_311 = vector.shape_cast %get3A_310 : vector<16xi32> to vector<16xi32>
      %get3A_312 = arith.constant 368 : index
      %get3A_313 = tpu.vector_load %arg7[%get3A_312] {strides = array<i32>} : memref<1024xi32, #tpu.memory_space<vmem>>, vector<16xi32>,
      %get3A_314 = vector.shape_cast %get3A_313 : vector<16xi32> to vector<16xi32>
      %add3A_315 = arith.addi %get3A_311, %get3A_314 : vector<16xi32>
      %swap3A_316 = arith.constant 2 : i32
      %swap3A_317 = arith.index_cast %swap3A_316 : i32 to index
      %swap3A_318 = arith.constant 112 : index
      %swap3A_319 = tpu.vector_load %arg8[%swap3A_317, %swap3A_318] {strides = array<i32>} : memref<8x128xi32, #tpu.memory_space<vmem>>, vector<1x16xi32>,
      %swap3A_320 = vector.shape_cast %swap3A_319 : vector<1x16xi32> to vector<16xi32>
      %swap3A_321 = vector.shape_cast %add3A_315 : vector<16xi32> to vector<1x16xi32>
      tpu.vector_store %arg8[%swap3A_317, %swap3A_318], %swap3A_321 {strides = array<i32>} : memref<8x128xi32, #tpu.memory_space<vmem>>, vector<1x16xi32>,
      %get3A_322 = arith.constant 384 : index
      %get3A_323 = tpu.vector_load %arg6[%get3A_322] {strides = array<i32>} : memref<1024xi32, #tpu.memory_space<vmem>>, vector<16xi32>,
      %get3A_324 = vector.shape_cast %get3A_323 : vector<16xi32> to vector<16xi32>
      %get3A_325 = arith.constant 384 : index
      %get3A_326 = tpu.vector_load %arg7[%get3A_325] {strides = array<i32>} : memref<1024xi32, #tpu.memory_space<vmem>>, vector<16xi32>,
      %get3A_327 = vector.shape_cast %get3A_326 : vector<16xi32> to vector<16xi32>
      %add3A_328 = arith.addi %get3A_324, %get3A_327 : vector<16xi32>
      %swap3A_329 = arith.constant 3 : i32
      %swap3A_330 = arith.index_cast %swap3A_329 : i32 to index
      %swap3A_331 = arith.constant 0 : index
      %swap3A_332 = tpu.vector_load %arg8[%swap3A_330, %swap3A_331] {strides = array<i32>} : memref<8x128xi32, #tpu.memory_space<vmem>>, vector<1x16xi32>,
      %swap3A_333 = vector.shape_cast %swap3A_332 : vector<1x16xi32> to vector<16xi32>
      %swap3A_334 = vector.shape_cast %add3A_328 : vector<16xi32> to vector<1x16xi32>
      tpu.vector_store %arg8[%swap3A_330, %swap3A_331], %swap3A_334 {strides = array<i32>} : memref<8x128xi32, #tpu.memory_space<vmem>>, vector<1x16xi32>,
      %get3A_335 = arith.constant 400 : index
      %get3A_336 = tpu.vector_load %arg6[%get3A_335] {strides = array<i32>} : memref<1024xi32, #tpu.memory_space<vmem>>, vector<16xi32>,
      %get3A_337 = vector.shape_cast %get3A_336 : vector<16xi32> to vector<16xi32>
      %get3A_338 = arith.constant 400 : index
      %get3A_339 = tpu.vector_load %arg7[%get3A_338] {strides = array<i32>} : memref<1024xi32, #tpu.memory_space<vmem>>, vector<16xi32>,
      %get3A_340 = vector.shape_cast %get3A_339 : vector<16xi32> to vector<16xi32>
      %add3A_341 = arith.addi %get3A_337, %get3A_340 : vector<16xi32>
      %swap3A_342 = arith.constant 3 : i32
      %swap3A_343 = arith.index_cast %swap3A_342 : i32 to index
      %swap3A_344 = arith.constant 16 : index
      %swap3A_345 = tpu.vector_load %arg8[%swap3A_343, %swap3A_344] {strides = array<i32>} : memref<8x128xi32, #tpu.memory_space<vmem>>, vector<1x16xi32>,
      %swap3A_346 = vector.shape_cast %swap3A_345 : vector<1x16xi32> to vector<16xi32>
      %swap3A_347 = vector.shape_cast %add3A_341 : vector<16xi32> to vector<1x16xi32>
      tpu.vector_store %arg8[%swap3A_343, %swap3A_344], %swap3A_347 {strides = array<i32>} : memref<8x128xi32, #tpu.memory_space<vmem>>, vector<1x16xi32>,
      %get3A_348 = arith.constant 416 : index
      %get3A_349 = tpu.vector_load %arg6[%get3A_348] {strides = array<i32>} : memref<1024xi32, #tpu.memory_space<vmem>>, vector<16xi32>,
      %get3A_350 = vector.shape_cast %get3A_349 : vector<16xi32> to vector<16xi32>
      %get3A_351 = arith.constant 416 : index
      %get3A_352 = tpu.vector_load %arg7[%get3A_351] {strides = array<i32>} : memref<1024xi32, #tpu.memory_space<vmem>>, vector<16xi32>,
      %get3A_353 = vector.shape_cast %get3A_352 : vector<16xi32> to vector<16xi32>
      %add3A_354 = arith.addi %get3A_350, %get3A_353 : vector<16xi32>
      %swap3A_355 = arith.constant 3 : i32
      %swap3A_356 = arith.index_cast %swap3A_355 : i32 to index
      %swap3A_357 = arith.constant 32 : index
      %swap3A_358 = tpu.vector_load %arg8[%swap3A_356, %swap3A_357] {strides = array<i32>} : memref<8x128xi32, #tpu.memory_space<vmem>>, vector<1x16xi32>,
      %swap3A_359 = vector.shape_cast %swap3A_358 : vector<1x16xi32> to vector<16xi32>
      %swap3A_360 = vector.shape_cast %add3A_354 : vector<16xi32> to vector<1x16xi32>
      tpu.vector_store %arg8[%swap3A_356, %swap3A_357], %swap3A_360 {strides = array<i32>} : memref<8x128xi32, #tpu.memory_space<vmem>>, vector<1x16xi32>,
      %get3A_361 = arith.constant 432 : index
      %get3A_362 = tpu.vector_load %arg6[%get3A_361] {strides = array<i32>} : memref<1024xi32, #tpu.memory_space<vmem>>, vector<16xi32>,
      %get3A_363 = vector.shape_cast %get3A_362 : vector<16xi32> to vector<16xi32>
      %get3A_364 = arith.constant 432 : index
      %get3A_365 = tpu.vector_load %arg7[%get3A_364] {strides = array<i32>} : memref<1024xi32, #tpu.memory_space<vmem>>, vector<16xi32>,
      %get3A_366 = vector.shape_cast %get3A_365 : vector<16xi32> to vector<16xi32>
      %add3A_367 = arith.addi %get3A_363, %get3A_366 : vector<16xi32>
      %swap3A_368 = arith.constant 3 : i32
      %swap3A_369 = arith.index_cast %swap3A_368 : i32 to index
      %swap3A_370 = arith.constant 48 : index
      %swap3A_371 = tpu.vector_load %arg8[%swap3A_369, %swap3A_370] {strides = array<i32>} : memref<8x128xi32, #tpu.memory_space<vmem>>, vector<1x16xi32>,
      %swap3A_372 = vector.shape_cast %swap3A_371 : vector<1x16xi32> to vector<16xi32>
      %swap3A_373 = vector.shape_cast %add3A_367 : vector<16xi32> to vector<1x16xi32>
      tpu.vector_store %arg8[%swap3A_369, %swap3A_370], %swap3A_373 {strides = array<i32>} : memref<8x128xi32, #tpu.memory_space<vmem>>, vector<1x16xi32>,
      %get3A_374 = arith.constant 448 : index
      %get3A_375 = tpu.vector_load %arg6[%get3A_374] {strides = array<i32>} : memref<1024xi32, #tpu.memory_space<vmem>>, vector<16xi32>,
      %get3A_376 = vector.shape_cast %get3A_375 : vector<16xi32> to vector<16xi32>
      %get3A_377 = arith.constant 448 : index
      %get3A_378 = tpu.vector_load %arg7[%get3A_377] {strides = array<i32>} : memref<1024xi32, #tpu.memory_space<vmem>>, vector<16xi32>,
      %get3A_379 = vector.shape_cast %get3A_378 : vector<16xi32> to vector<16xi32>
      %add3A_380 = arith.addi %get3A_376, %get3A_379 : vector<16xi32>
      %swap3A_381 = arith.constant 3 : i32
      %swap3A_382 = arith.index_cast %swap3A_381 : i32 to index
      %swap3A_383 = arith.constant 64 : index
      %swap3A_384 = tpu.vector_load %arg8[%swap3A_382, %swap3A_383] {strides = array<i32>} : memref<8x128xi32, #tpu.memory_space<vmem>>, vector<1x16xi32>,
      %swap3A_385 = vector.shape_cast %swap3A_384 : vector<1x16xi32> to vector<16xi32>
      %swap3A_386 = vector.shape_cast %add3A_380 : vector<16xi32> to vector<1x16xi32>
      tpu.vector_store %arg8[%swap3A_382, %swap3A_383], %swap3A_386 {strides = array<i32>} : memref<8x128xi32, #tpu.memory_space<vmem>>, vector<1x16xi32>,
      %get3A_387 = arith.constant 464 : index
      %get3A_388 = tpu.vector_load %arg6[%get3A_387] {strides = array<i32>} : memref<1024xi32, #tpu.memory_space<vmem>>, vector<16xi32>,
      %get3A_389 = vector.shape_cast %get3A_388 : vector<16xi32> to vector<16xi32>
      %get3A_390 = arith.constant 464 : index
      %get3A_391 = tpu.vector_load %arg7[%get3A_390] {strides = array<i32>} : memref<1024xi32, #tpu.memory_space<vmem>>, vector<16xi32>,
      %get3A_392 = vector.shape_cast %get3A_391 : vector<16xi32> to vector<16xi32>
      %add3A_393 = arith.addi %get3A_389, %get3A_392 : vector<16xi32>
      %swap3A_394 = arith.constant 3 : i32
      %swap3A_395 = arith.index_cast %swap3A_394 : i32 to index
      %swap3A_396 = arith.constant 80 : index
      %swap3A_397 = tpu.vector_load %arg8[%swap3A_395, %swap3A_396] {strides = array<i32>} : memref<8x128xi32, #tpu.memory_space<vmem>>, vector<1x16xi32>,
      %swap3A_398 = vector.shape_cast %swap3A_397 : vector<1x16xi32> to vector<16xi32>
      %swap3A_399 = vector.shape_cast %add3A_393 : vector<16xi32> to vector<1x16xi32>
      tpu.vector_store %arg8[%swap3A_395, %swap3A_396], %swap3A_399 {strides = array<i32>} : memref<8x128xi32, #tpu.memory_space<vmem>>, vector<1x16xi32>,
      %get3A_400 = arith.constant 480 : index
      %get3A_401 = tpu.vector_load %arg6[%get3A_400] {strides = array<i32>} : memref<1024xi32, #tpu.memory_space<vmem>>, vector<16xi32>,
      %get3A_402 = vector.shape_cast %get3A_401 : vector<16xi32> to vector<16xi32>
      %get3A_403 = arith.constant 480 : index
      %get3A_404 = tpu.vector_load %arg7[%get3A_403] {strides = array<i32>} : memref<1024xi32, #tpu.memory_space<vmem>>, vector<16xi32>,
      %get3A_405 = vector.shape_cast %get3A_404 : vector<16xi32> to vector<16xi32>
      %add3A_406 = arith.addi %get3A_402, %get3A_405 : vector<16xi32>
      %swap3A_407 = arith.constant 3 : i32
      %swap3A_408 = arith.index_cast %swap3A_407 : i32 to index
      %swap3A_409 = arith.constant 96 : index
      %swap3A_410 = tpu.vector_load %arg8[%swap3A_408, %swap3A_409] {strides = array<i32>} : memref<8x128xi32, #tpu.memory_space<vmem>>, vector<1x16xi32>,
      %swap3A_411 = vector.shape_cast %swap3A_410 : vector<1x16xi32> to vector<16xi32>
      %swap3A_412 = vector.shape_cast %add3A_406 : vector<16xi32> to vector<1x16xi32>
      tpu.vector_store %arg8[%swap3A_408, %swap3A_409], %swap3A_412 {strides = array<i32>} : memref<8x128xi32, #tpu.memory_space<vmem>>, vector<1x16xi32>,
      %get3A_413 = arith.constant 496 : index
      %get3A_414 = tpu.vector_load %arg6[%get3A_413] {strides = array<i32>} : memref<1024xi32, #tpu.memory_space<vmem>>, vector<16xi32>,
      %get3A_415 = vector.shape_cast %get3A_414 : vector<16xi32> to vector<16xi32>
      %get3A_416 = arith.constant 496 : index
      %get3A_417 = tpu.vector_load %arg7[%get3A_416] {strides = array<i32>} : memref<1024xi32, #tpu.memory_space<vmem>>, vector<16xi32>,
      %get3A_418 = vector.shape_cast %get3A_417 : vector<16xi32> to vector<16xi32>
      %add3A_419 = arith.addi %get3A_415, %get3A_418 : vector<16xi32>
      %swap3A_420 = arith.constant 3 : i32
      %swap3A_421 = arith.index_cast %swap3A_420 : i32 to index
      %swap3A_422 = arith.constant 112 : index
      %swap3A_423 = tpu.vector_load %arg8[%swap3A_421, %swap3A_422] {strides = array<i32>} : memref<8x128xi32, #tpu.memory_space<vmem>>, vector<1x16xi32>,
      %swap3A_424 = vector.shape_cast %swap3A_423 : vector<1x16xi32> to vector<16xi32>
      %swap3A_425 = vector.shape_cast %add3A_419 : vector<16xi32> to vector<1x16xi32>
      tpu.vector_store %arg8[%swap3A_421, %swap3A_422], %swap3A_425 {strides = array<i32>} : memref<8x128xi32, #tpu.memory_space<vmem>>, vector<1x16xi32>,
      %get3A_426 = arith.constant 512 : index
      %get3A_427 = tpu.vector_load %arg6[%get3A_426] {strides = array<i32>} : memref<1024xi32, #tpu.memory_space<vmem>>, vector<16xi32>,
      %get3A_428 = vector.shape_cast %get3A_427 : vector<16xi32> to vector<16xi32>
      %get3A_429 = arith.constant 512 : index
      %get3A_430 = tpu.vector_load %arg7[%get3A_429] {strides = array<i32>} : memref<1024xi32, #tpu.memory_space<vmem>>, vector<16xi32>,
      %get3A_431 = vector.shape_cast %get3A_430 : vector<16xi32> to vector<16xi32>
      %add3A_432 = arith.addi %get3A_428, %get3A_431 : vector<16xi32>
      %swap3A_433 = arith.constant 4 : i32
      %swap3A_434 = arith.index_cast %swap3A_433 : i32 to index
      %swap3A_435 = arith.constant 0 : index
      %swap3A_436 = tpu.vector_load %arg8[%swap3A_434, %swap3A_435] {strides = array<i32>} : memref<8x128xi32, #tpu.memory_space<vmem>>, vector<1x16xi32>,
      %swap3A_437 = vector.shape_cast %swap3A_436 : vector<1x16xi32> to vector<16xi32>
      %swap3A_438 = vector.shape_cast %add3A_432 : vector<16xi32> to vector<1x16xi32>
      tpu.vector_store %arg8[%swap3A_434, %swap3A_435], %swap3A_438 {strides = array<i32>} : memref<8x128xi32, #tpu.memory_space<vmem>>, vector<1x16xi32>,
      %get3A_439 = arith.constant 528 : index
      %get3A_440 = tpu.vector_load %arg6[%get3A_439] {strides = array<i32>} : memref<1024xi32, #tpu.memory_space<vmem>>, vector<16xi32>,
      %get3A_441 = vector.shape_cast %get3A_440 : vector<16xi32> to vector<16xi32>
      %get3A_442 = arith.constant 528 : index
      %get3A_443 = tpu.vector_load %arg7[%get3A_442] {strides = array<i32>} : memref<1024xi32, #tpu.memory_space<vmem>>, vector<16xi32>,
      %get3A_444 = vector.shape_cast %get3A_443 : vector<16xi32> to vector<16xi32>
      %add3A_445 = arith.addi %get3A_441, %get3A_444 : vector<16xi32>
      %swap3A_446 = arith.constant 4 : i32
      %swap3A_447 = arith.index_cast %swap3A_446 : i32 to index
      %swap3A_448 = arith.constant 16 : index
      %swap3A_449 = tpu.vector_load %arg8[%swap3A_447, %swap3A_448] {strides = array<i32>} : memref<8x128xi32, #tpu.memory_space<vmem>>, vector<1x16xi32>,
      %swap3A_450 = vector.shape_cast %swap3A_449 : vector<1x16xi32> to vector<16xi32>
      %swap3A_451 = vector.shape_cast %add3A_445 : vector<16xi32> to vector<1x16xi32>
      tpu.vector_store %arg8[%swap3A_447, %swap3A_448], %swap3A_451 {strides = array<i32>} : memref<8x128xi32, #tpu.memory_space<vmem>>, vector<1x16xi32>,
      %get3A_452 = arith.constant 544 : index
      %get3A_453 = tpu.vector_load %arg6[%get3A_452] {strides = array<i32>} : memref<1024xi32, #tpu.memory_space<vmem>>, vector<16xi32>,
      %get3A_454 = vector.shape_cast %get3A_453 : vector<16xi32> to vector<16xi32>
      %get3A_455 = arith.constant 544 : index
      %get3A_456 = tpu.vector_load %arg7[%get3A_455] {strides = array<i32>} : memref<1024xi32, #tpu.memory_space<vmem>>, vector<16xi32>,
      %get3A_457 = vector.shape_cast %get3A_456 : vector<16xi32> to vector<16xi32>
      %add3A_458 = arith.addi %get3A_454, %get3A_457 : vector<16xi32>
      %swap3A_459 = arith.constant 4 : i32
      %swap3A_460 = arith.index_cast %swap3A_459 : i32 to index
      %swap3A_461 = arith.constant 32 : index
      %swap3A_462 = tpu.vector_load %arg8[%swap3A_460, %swap3A_461] {strides = array<i32>} : memref<8x128xi32, #tpu.memory_space<vmem>>, vector<1x16xi32>,
      %swap3A_463 = vector.shape_cast %swap3A_462 : vector<1x16xi32> to vector<16xi32>
      %swap3A_464 = vector.shape_cast %add3A_458 : vector<16xi32> to vector<1x16xi32>
      tpu.vector_store %arg8[%swap3A_460, %swap3A_461], %swap3A_464 {strides = array<i32>} : memref<8x128xi32, #tpu.memory_space<vmem>>, vector<1x16xi32>,
      %get3A_465 = arith.constant 560 : index
      %get3A_466 = tpu.vector_load %arg6[%get3A_465] {strides = array<i32>} : memref<1024xi32, #tpu.memory_space<vmem>>, vector<16xi32>,
      %get3A_467 = vector.shape_cast %get3A_466 : vector<16xi32> to vector<16xi32>
      %get3A_468 = arith.constant 560 : index
      %get3A_469 = tpu.vector_load %arg7[%get3A_468] {strides = array<i32>} : memref<1024xi32, #tpu.memory_space<vmem>>, vector<16xi32>,
      %get3A_470 = vector.shape_cast %get3A_469 : vector<16xi32> to vector<16xi32>
      %add3A_471 = arith.addi %get3A_467, %get3A_470 : vector<16xi32>
      %swap3A_472 = arith.constant 4 : i32
      %swap3A_473 = arith.index_cast %swap3A_472 : i32 to index
      %swap3A_474 = arith.constant 48 : index
      %swap3A_475 = tpu.vector_load %arg8[%swap3A_473, %swap3A_474] {strides = array<i32>} : memref<8x128xi32, #tpu.memory_space<vmem>>, vector<1x16xi32>,
      %swap3A_476 = vector.shape_cast %swap3A_475 : vector<1x16xi32> to vector<16xi32>
      %swap3A_477 = vector.shape_cast %add3A_471 : vector<16xi32> to vector<1x16xi32>
      tpu.vector_store %arg8[%swap3A_473, %swap3A_474], %swap3A_477 {strides = array<i32>} : memref<8x128xi32, #tpu.memory_space<vmem>>, vector<1x16xi32>,
      %get3A_478 = arith.constant 576 : index
      %get3A_479 = tpu.vector_load %arg6[%get3A_478] {strides = array<i32>} : memref<1024xi32, #tpu.memory_space<vmem>>, vector<16xi32>,
      %get3A_480 = vector.shape_cast %get3A_479 : vector<16xi32> to vector<16xi32>
      %get3A_481 = arith.constant 576 : index
      %get3A_482 = tpu.vector_load %arg7[%get3A_481] {strides = array<i32>} : memref<1024xi32, #tpu.memory_space<vmem>>, vector<16xi32>,
      %get3A_483 = vector.shape_cast %get3A_482 : vector<16xi32> to vector<16xi32>
      %add3A_484 = arith.addi %get3A_480, %get3A_483 : vector<16xi32>
      %swap3A_485 = arith.constant 4 : i32
      %swap3A_486 = arith.index_cast %swap3A_485 : i32 to index
      %swap3A_487 = arith.constant 64 : index
      %swap3A_488 = tpu.vector_load %arg8[%swap3A_486, %swap3A_487] {strides = array<i32>} : memref<8x128xi32, #tpu.memory_space<vmem>>, vector<1x16xi32>,
      %swap3A_489 = vector.shape_cast %swap3A_488 : vector<1x16xi32> to vector<16xi32>
      %swap3A_490 = vector.shape_cast %add3A_484 : vector<16xi32> to vector<1x16xi32>
      tpu.vector_store %arg8[%swap3A_486, %swap3A_487], %swap3A_490 {strides = array<i32>} : memref<8x128xi32, #tpu.memory_space<vmem>>, vector<1x16xi32>,
      %get3A_491 = arith.constant 592 : index
      %get3A_492 = tpu.vector_load %arg6[%get3A_491] {strides = array<i32>} : memref<1024xi32, #tpu.memory_space<vmem>>, vector<16xi32>,
      %get3A_493 = vector.shape_cast %get3A_492 : vector<16xi32> to vector<16xi32>
      %get3A_494 = arith.constant 592 : index
      %get3A_495 = tpu.vector_load %arg7[%get3A_494] {strides = array<i32>} : memref<1024xi32, #tpu.memory_space<vmem>>, vector<16xi32>,
      %get3A_496 = vector.shape_cast %get3A_495 : vector<16xi32> to vector<16xi32>
      %add3A_497 = arith.addi %get3A_493, %get3A_496 : vector<16xi32>
      %swap3A_498 = arith.constant 4 : i32
      %swap3A_499 = arith.index_cast %swap3A_498 : i32 to index
      %swap3A_500 = arith.constant 80 : index
      %swap3A_501 = tpu.vector_load %arg8[%swap3A_499, %swap3A_500] {strides = array<i32>} : memref<8x128xi32, #tpu.memory_space<vmem>>, vector<1x16xi32>,
      %swap3A_502 = vector.shape_cast %swap3A_501 : vector<1x16xi32> to vector<16xi32>
      %swap3A_503 = vector.shape_cast %add3A_497 : vector<16xi32> to vector<1x16xi32>
      tpu.vector_store %arg8[%swap3A_499, %swap3A_500], %swap3A_503 {strides = array<i32>} : memref<8x128xi32, #tpu.memory_space<vmem>>, vector<1x16xi32>,
      %get3A_504 = arith.constant 608 : index
      %get3A_505 = tpu.vector_load %arg6[%get3A_504] {strides = array<i32>} : memref<1024xi32, #tpu.memory_space<vmem>>, vector<16xi32>,
      %get3A_506 = vector.shape_cast %get3A_505 : vector<16xi32> to vector<16xi32>
      %get3A_507 = arith.constant 608 : index
      %get3A_508 = tpu.vector_load %arg7[%get3A_507] {strides = array<i32>} : memref<1024xi32, #tpu.memory_space<vmem>>, vector<16xi32>,
      %get3A_509 = vector.shape_cast %get3A_508 : vector<16xi32> to vector<16xi32>
      %add3A_510 = arith.addi %get3A_506, %get3A_509 : vector<16xi32>
      %swap3A_511 = arith.constant 4 : i32
      %swap3A_512 = arith.index_cast %swap3A_511 : i32 to index
      %swap3A_513 = arith.constant 96 : index
      %swap3A_514 = tpu.vector_load %arg8[%swap3A_512, %swap3A_513] {strides = array<i32>} : memref<8x128xi32, #tpu.memory_space<vmem>>, vector<1x16xi32>,
      %swap3A_515 = vector.shape_cast %swap3A_514 : vector<1x16xi32> to vector<16xi32>
      %swap3A_516 = vector.shape_cast %add3A_510 : vector<16xi32> to vector<1x16xi32>
      tpu.vector_store %arg8[%swap3A_512, %swap3A_513], %swap3A_516 {strides = array<i32>} : memref<8x128xi32, #tpu.memory_space<vmem>>, vector<1x16xi32>,
      %get3A_517 = arith.constant 624 : index
      %get3A_518 = tpu.vector_load %arg6[%get3A_517] {strides = array<i32>} : memref<1024xi32, #tpu.memory_space<vmem>>, vector<16xi32>,
      %get3A_519 = vector.shape_cast %get3A_518 : vector<16xi32> to vector<16xi32>
      %get3A_520 = arith.constant 624 : index
      %get3A_521 = tpu.vector_load %arg7[%get3A_520] {strides = array<i32>} : memref<1024xi32, #tpu.memory_space<vmem>>, vector<16xi32>,
      %get3A_522 = vector.shape_cast %get3A_521 : vector<16xi32> to vector<16xi32>
      %add3A_523 = arith.addi %get3A_519, %get3A_522 : vector<16xi32>
      %swap3A_524 = arith.constant 4 : i32
      %swap3A_525 = arith.index_cast %swap3A_524 : i32 to index
      %swap3A_526 = arith.constant 112 : index
      %swap3A_527 = tpu.vector_load %arg8[%swap3A_525, %swap3A_526] {strides = array<i32>} : memref<8x128xi32, #tpu.memory_space<vmem>>, vector<1x16xi32>,
      %swap3A_528 = vector.shape_cast %swap3A_527 : vector<1x16xi32> to vector<16xi32>
      %swap3A_529 = vector.shape_cast %add3A_523 : vector<16xi32> to vector<1x16xi32>
      tpu.vector_store %arg8[%swap3A_525, %swap3A_526], %swap3A_529 {strides = array<i32>} : memref<8x128xi32, #tpu.memory_space<vmem>>, vector<1x16xi32>,
      %get3A_530 = arith.constant 640 : index
      %get3A_531 = tpu.vector_load %arg6[%get3A_530] {strides = array<i32>} : memref<1024xi32, #tpu.memory_space<vmem>>, vector<16xi32>,
      %get3A_532 = vector.shape_cast %get3A_531 : vector<16xi32> to vector<16xi32>
      %get3A_533 = arith.constant 640 : index
      %get3A_534 = tpu.vector_load %arg7[%get3A_533] {strides = array<i32>} : memref<1024xi32, #tpu.memory_space<vmem>>, vector<16xi32>,
      %get3A_535 = vector.shape_cast %get3A_534 : vector<16xi32> to vector<16xi32>
      %add3A_536 = arith.addi %get3A_532, %get3A_535 : vector<16xi32>
      %swap3A_537 = arith.constant 5 : i32
      %swap3A_538 = arith.index_cast %swap3A_537 : i32 to index
      %swap3A_539 = arith.constant 0 : index
      %swap3A_540 = tpu.vector_load %arg8[%swap3A_538, %swap3A_539] {strides = array<i32>} : memref<8x128xi32, #tpu.memory_space<vmem>>, vector<1x16xi32>,
      %swap3A_541 = vector.shape_cast %swap3A_540 : vector<1x16xi32> to vector<16xi32>
      %swap3A_542 = vector.shape_cast %add3A_536 : vector<16xi32> to vector<1x16xi32>
      tpu.vector_store %arg8[%swap3A_538, %swap3A_539], %swap3A_542 {strides = array<i32>} : memref<8x128xi32, #tpu.memory_space<vmem>>, vector<1x16xi32>,
      %get3A_543 = arith.constant 656 : index
      %get3A_544 = tpu.vector_load %arg6[%get3A_543] {strides = array<i32>} : memref<1024xi32, #tpu.memory_space<vmem>>, vector<16xi32>,
      %get3A_545 = vector.shape_cast %get3A_544 : vector<16xi32> to vector<16xi32>
      %get3A_546 = arith.constant 656 : index
      %get3A_547 = tpu.vector_load %arg7[%get3A_546] {strides = array<i32>} : memref<1024xi32, #tpu.memory_space<vmem>>, vector<16xi32>,
      %get3A_548 = vector.shape_cast %get3A_547 : vector<16xi32> to vector<16xi32>
      %add3A_549 = arith.addi %get3A_545, %get3A_548 : vector<16xi32>
      %swap3A_550 = arith.constant 5 : i32
      %swap3A_551 = arith.index_cast %swap3A_550 : i32 to index
      %swap3A_552 = arith.constant 16 : index
      %swap3A_553 = tpu.vector_load %arg8[%swap3A_551, %swap3A_552] {strides = array<i32>} : memref<8x128xi32, #tpu.memory_space<vmem>>, vector<1x16xi32>,
      %swap3A_554 = vector.shape_cast %swap3A_553 : vector<1x16xi32> to vector<16xi32>
      %swap3A_555 = vector.shape_cast %add3A_549 : vector<16xi32> to vector<1x16xi32>
      tpu.vector_store %arg8[%swap3A_551, %swap3A_552], %swap3A_555 {strides = array<i32>} : memref<8x128xi32, #tpu.memory_space<vmem>>, vector<1x16xi32>,
      %get3A_556 = arith.constant 672 : index
      %get3A_557 = tpu.vector_load %arg6[%get3A_556] {strides = array<i32>} : memref<1024xi32, #tpu.memory_space<vmem>>, vector<16xi32>,
      %get3A_558 = vector.shape_cast %get3A_557 : vector<16xi32> to vector<16xi32>
      %get3A_559 = arith.constant 672 : index
      %get3A_560 = tpu.vector_load %arg7[%get3A_559] {strides = array<i32>} : memref<1024xi32, #tpu.memory_space<vmem>>, vector<16xi32>,
      %get3A_561 = vector.shape_cast %get3A_560 : vector<16xi32> to vector<16xi32>
      %add3A_562 = arith.addi %get3A_558, %get3A_561 : vector<16xi32>
      %swap3A_563 = arith.constant 5 : i32
      %swap3A_564 = arith.index_cast %swap3A_563 : i32 to index
      %swap3A_565 = arith.constant 32 : index
      %swap3A_566 = tpu.vector_load %arg8[%swap3A_564, %swap3A_565] {strides = array<i32>} : memref<8x128xi32, #tpu.memory_space<vmem>>, vector<1x16xi32>,
      %swap3A_567 = vector.shape_cast %swap3A_566 : vector<1x16xi32> to vector<16xi32>
      %swap3A_568 = vector.shape_cast %add3A_562 : vector<16xi32> to vector<1x16xi32>
      tpu.vector_store %arg8[%swap3A_564, %swap3A_565], %swap3A_568 {strides = array<i32>} : memref<8x128xi32, #tpu.memory_space<vmem>>, vector<1x16xi32>,
      %get3A_569 = arith.constant 688 : index
      %get3A_570 = tpu.vector_load %arg6[%get3A_569] {strides = array<i32>} : memref<1024xi32, #tpu.memory_space<vmem>>, vector<16xi32>,
      %get3A_571 = vector.shape_cast %get3A_570 : vector<16xi32> to vector<16xi32>
      %get3A_572 = arith.constant 688 : index
      %get3A_573 = tpu.vector_load %arg7[%get3A_572] {strides = array<i32>} : memref<1024xi32, #tpu.memory_space<vmem>>, vector<16xi32>,
      %get3A_574 = vector.shape_cast %get3A_573 : vector<16xi32> to vector<16xi32>
      %add3A_575 = arith.addi %get3A_571, %get3A_574 : vector<16xi32>
      %swap3A_576 = arith.constant 5 : i32
      %swap3A_577 = arith.index_cast %swap3A_576 : i32 to index
      %swap3A_578 = arith.constant 48 : index
      %swap3A_579 = tpu.vector_load %arg8[%swap3A_577, %swap3A_578] {strides = array<i32>} : memref<8x128xi32, #tpu.memory_space<vmem>>, vector<1x16xi32>,
      %swap3A_580 = vector.shape_cast %swap3A_579 : vector<1x16xi32> to vector<16xi32>
      %swap3A_581 = vector.shape_cast %add3A_575 : vector<16xi32> to vector<1x16xi32>
      tpu.vector_store %arg8[%swap3A_577, %swap3A_578], %swap3A_581 {strides = array<i32>} : memref<8x128xi32, #tpu.memory_space<vmem>>, vector<1x16xi32>,
      %get3A_582 = arith.constant 704 : index
      %get3A_583 = tpu.vector_load %arg6[%get3A_582] {strides = array<i32>} : memref<1024xi32, #tpu.memory_space<vmem>>, vector<16xi32>,
      %get3A_584 = vector.shape_cast %get3A_583 : vector<16xi32> to vector<16xi32>
      %get3A_585 = arith.constant 704 : index
      %get3A_586 = tpu.vector_load %arg7[%get3A_585] {strides = array<i32>} : memref<1024xi32, #tpu.memory_space<vmem>>, vector<16xi32>,
      %get3A_587 = vector.shape_cast %get3A_586 : vector<16xi32> to vector<16xi32>
      %add3A_588 = arith.addi %get3A_584, %get3A_587 : vector<16xi32>
      %swap3A_589 = arith.constant 5 : i32
      %swap3A_590 = arith.index_cast %swap3A_589 : i32 to index
      %swap3A_591 = arith.constant 64 : index
      %swap3A_592 = tpu.vector_load %arg8[%swap3A_590, %swap3A_591] {strides = array<i32>} : memref<8x128xi32, #tpu.memory_space<vmem>>, vector<1x16xi32>,
      %swap3A_593 = vector.shape_cast %swap3A_592 : vector<1x16xi32> to vector<16xi32>
      %swap3A_594 = vector.shape_cast %add3A_588 : vector<16xi32> to vector<1x16xi32>
      tpu.vector_store %arg8[%swap3A_590, %swap3A_591], %swap3A_594 {strides = array<i32>} : memref<8x128xi32, #tpu.memory_space<vmem>>, vector<1x16xi32>,
      %get3A_595 = arith.constant 720 : index
      %get3A_596 = tpu.vector_load %arg6[%get3A_595] {strides = array<i32>} : memref<1024xi32, #tpu.memory_space<vmem>>, vector<16xi32>,
      %get3A_597 = vector.shape_cast %get3A_596 : vector<16xi32> to vector<16xi32>
      %get3A_598 = arith.constant 720 : index
      %get3A_599 = tpu.vector_load %arg7[%get3A_598] {strides = array<i32>} : memref<1024xi32, #tpu.memory_space<vmem>>, vector<16xi32>,
      %get3A_600 = vector.shape_cast %get3A_599 : vector<16xi32> to vector<16xi32>
      %add3A_601 = arith.addi %get3A_597, %get3A_600 : vector<16xi32>
      %swap3A_602 = arith.constant 5 : i32
      %swap3A_603 = arith.index_cast %swap3A_602 : i32 to index
      %swap3A_604 = arith.constant 80 : index
      %swap3A_605 = tpu.vector_load %arg8[%swap3A_603, %swap3A_604] {strides = array<i32>} : memref<8x128xi32, #tpu.memory_space<vmem>>, vector<1x16xi32>,
      %swap3A_606 = vector.shape_cast %swap3A_605 : vector<1x16xi32> to vector<16xi32>
      %swap3A_607 = vector.shape_cast %add3A_601 : vector<16xi32> to vector<1x16xi32>
      tpu.vector_store %arg8[%swap3A_603, %swap3A_604], %swap3A_607 {strides = array<i32>} : memref<8x128xi32, #tpu.memory_space<vmem>>, vector<1x16xi32>,
      %get3A_608 = arith.constant 736 : index
      %get3A_609 = tpu.vector_load %arg6[%get3A_608] {strides = array<i32>} : memref<1024xi32, #tpu.memory_space<vmem>>, vector<16xi32>,
      %get3A_610 = vector.shape_cast %get3A_609 : vector<16xi32> to vector<16xi32>
      %get3A_611 = arith.constant 736 : index
      %get3A_612 = tpu.vector_load %arg7[%get3A_611] {strides = array<i32>} : memref<1024xi32, #tpu.memory_space<vmem>>, vector<16xi32>,
      %get3A_613 = vector.shape_cast %get3A_612 : vector<16xi32> to vector<16xi32>
      %add3A_614 = arith.addi %get3A_610, %get3A_613 : vector<16xi32>
      %swap3A_615 = arith.constant 5 : i32
      %swap3A_616 = arith.index_cast %swap3A_615 : i32 to index
      %swap3A_617 = arith.constant 96 : index
      %swap3A_618 = tpu.vector_load %arg8[%swap3A_616, %swap3A_617] {strides = array<i32>} : memref<8x128xi32, #tpu.memory_space<vmem>>, vector<1x16xi32>,
      %swap3A_619 = vector.shape_cast %swap3A_618 : vector<1x16xi32> to vector<16xi32>
      %swap3A_620 = vector.shape_cast %add3A_614 : vector<16xi32> to vector<1x16xi32>
      tpu.vector_store %arg8[%swap3A_616, %swap3A_617], %swap3A_620 {strides = array<i32>} : memref<8x128xi32, #tpu.memory_space<vmem>>, vector<1x16xi32>,
      %get3A_621 = arith.constant 752 : index
      %get3A_622 = tpu.vector_load %arg6[%get3A_621] {strides = array<i32>} : memref<1024xi32, #tpu.memory_space<vmem>>, vector<16xi32>,
      %get3A_623 = vector.shape_cast %get3A_622 : vector<16xi32> to vector<16xi32>
      %get3A_624 = arith.constant 752 : index
      %get3A_625 = tpu.vector_load %arg7[%get3A_624] {strides = array<i32>} : memref<1024xi32, #tpu.memory_space<vmem>>, vector<16xi32>,
      %get3A_626 = vector.shape_cast %get3A_625 : vector<16xi32> to vector<16xi32>
      %add3A_627 = arith.addi %get3A_623, %get3A_626 : vector<16xi32>
      %swap3A_628 = arith.constant 5 : i32
      %swap3A_629 = arith.index_cast %swap3A_628 : i32 to index
      %swap3A_630 = arith.constant 112 : index
      %swap3A_631 = tpu.vector_load %arg8[%swap3A_629, %swap3A_630] {strides = array<i32>} : memref<8x128xi32, #tpu.memory_space<vmem>>, vector<1x16xi32>,
      %swap3A_632 = vector.shape_cast %swap3A_631 : vector<1x16xi32> to vector<16xi32>
      %swap3A_633 = vector.shape_cast %add3A_627 : vector<16xi32> to vector<1x16xi32>
      tpu.vector_store %arg8[%swap3A_629, %swap3A_630], %swap3A_633 {strides = array<i32>} : memref<8x128xi32, #tpu.memory_space<vmem>>, vector<1x16xi32>,
      %get3A_634 = arith.constant 768 : index
      %get3A_635 = tpu.vector_load %arg6[%get3A_634] {strides = array<i32>} : memref<1024xi32, #tpu.memory_space<vmem>>, vector<16xi32>,
      %get3A_636 = vector.shape_cast %get3A_635 : vector<16xi32> to vector<16xi32>
      %get3A_637 = arith.constant 768 : index
      %get3A_638 = tpu.vector_load %arg7[%get3A_637] {strides = array<i32>} : memref<1024xi32, #tpu.memory_space<vmem>>, vector<16xi32>,
      %get3A_639 = vector.shape_cast %get3A_638 : vector<16xi32> to vector<16xi32>
      %add3A_640 = arith.addi %get3A_636, %get3A_639 : vector<16xi32>
      %swap3A_641 = arith.constant 6 : i32
      %swap3A_642 = arith.index_cast %swap3A_641 : i32 to index
      %swap3A_643 = arith.constant 0 : index
      %swap3A_644 = tpu.vector_load %arg8[%swap3A_642, %swap3A_643] {strides = array<i32>} : memref<8x128xi32, #tpu.memory_space<vmem>>, vector<1x16xi32>,
      %swap3A_645 = vector.shape_cast %swap3A_644 : vector<1x16xi32> to vector<16xi32>
      %swap3A_646 = vector.shape_cast %add3A_640 : vector<16xi32> to vector<1x16xi32>
      tpu.vector_store %arg8[%swap3A_642, %swap3A_643], %swap3A_646 {strides = array<i32>} : memref<8x128xi32, #tpu.memory_space<vmem>>, vector<1x16xi32>,
      %get3A_647 = arith.constant 784 : index
      %get3A_648 = tpu.vector_load %arg6[%get3A_647] {strides = array<i32>} : memref<1024xi32, #tpu.memory_space<vmem>>, vector<16xi32>,
      %get3A_649 = vector.shape_cast %get3A_648 : vector<16xi32> to vector<16xi32>
      %get3A_650 = arith.constant 784 : index
      %get3A_651 = tpu.vector_load %arg7[%get3A_650] {strides = array<i32>} : memref<1024xi32, #tpu.memory_space<vmem>>, vector<16xi32>,
      %get3A_652 = vector.shape_cast %get3A_651 : vector<16xi32> to vector<16xi32>
      %add3A_653 = arith.addi %get3A_649, %get3A_652 : vector<16xi32>
      %swap3A_654 = arith.constant 6 : i32
      %swap3A_655 = arith.index_cast %swap3A_654 : i32 to index
      %swap3A_656 = arith.constant 16 : index
      %swap3A_657 = tpu.vector_load %arg8[%swap3A_655, %swap3A_656] {strides = array<i32>} : memref<8x128xi32, #tpu.memory_space<vmem>>, vector<1x16xi32>,
      %swap3A_658 = vector.shape_cast %swap3A_657 : vector<1x16xi32> to vector<16xi32>
      %swap3A_659 = vector.shape_cast %add3A_653 : vector<16xi32> to vector<1x16xi32>
      tpu.vector_store %arg8[%swap3A_655, %swap3A_656], %swap3A_659 {strides = array<i32>} : memref<8x128xi32, #tpu.memory_space<vmem>>, vector<1x16xi32>,
      %get3A_660 = arith.constant 800 : index
      %get3A_661 = tpu.vector_load %arg6[%get3A_660] {strides = array<i32>} : memref<1024xi32, #tpu.memory_space<vmem>>, vector<16xi32>,
      %get3A_662 = vector.shape_cast %get3A_661 : vector<16xi32> to vector<16xi32>
      %get3A_663 = arith.constant 800 : index
      %get3A_664 = tpu.vector_load %arg7[%get3A_663] {strides = array<i32>} : memref<1024xi32, #tpu.memory_space<vmem>>, vector<16xi32>,
      %get3A_665 = vector.shape_cast %get3A_664 : vector<16xi32> to vector<16xi32>
      %add3A_666 = arith.addi %get3A_662, %get3A_665 : vector<16xi32>
      %swap3A_667 = arith.constant 6 : i32
      %swap3A_668 = arith.index_cast %swap3A_667 : i32 to index
      %swap3A_669 = arith.constant 32 : index
      %swap3A_670 = tpu.vector_load %arg8[%swap3A_668, %swap3A_669] {strides = array<i32>} : memref<8x128xi32, #tpu.memory_space<vmem>>, vector<1x16xi32>,
      %swap3A_671 = vector.shape_cast %swap3A_670 : vector<1x16xi32> to vector<16xi32>
      %swap3A_672 = vector.shape_cast %add3A_666 : vector<16xi32> to vector<1x16xi32>
      tpu.vector_store %arg8[%swap3A_668, %swap3A_669], %swap3A_672 {strides = array<i32>} : memref<8x128xi32, #tpu.memory_space<vmem>>, vector<1x16xi32>,
      %get3A_673 = arith.constant 816 : index
      %get3A_674 = tpu.vector_load %arg6[%get3A_673] {strides = array<i32>} : memref<1024xi32, #tpu.memory_space<vmem>>, vector<16xi32>,
      %get3A_675 = vector.shape_cast %get3A_674 : vector<16xi32> to vector<16xi32>
      %get3A_676 = arith.constant 816 : index
      %get3A_677 = tpu.vector_load %arg7[%get3A_676] {strides = array<i32>} : memref<1024xi32, #tpu.memory_space<vmem>>, vector<16xi32>,
      %get3A_678 = vector.shape_cast %get3A_677 : vector<16xi32> to vector<16xi32>
      %add3A_679 = arith.addi %get3A_675, %get3A_678 : vector<16xi32>
      %swap3A_680 = arith.constant 6 : i32
      %swap3A_681 = arith.index_cast %swap3A_680 : i32 to index
      %swap3A_682 = arith.constant 48 : index
      %swap3A_683 = tpu.vector_load %arg8[%swap3A_681, %swap3A_682] {strides = array<i32>} : memref<8x128xi32, #tpu.memory_space<vmem>>, vector<1x16xi32>,
      %swap3A_684 = vector.shape_cast %swap3A_683 : vector<1x16xi32> to vector<16xi32>
      %swap3A_685 = vector.shape_cast %add3A_679 : vector<16xi32> to vector<1x16xi32>
      tpu.vector_store %arg8[%swap3A_681, %swap3A_682], %swap3A_685 {strides = array<i32>} : memref<8x128xi32, #tpu.memory_space<vmem>>, vector<1x16xi32>,
      %get3A_686 = arith.constant 832 : index
      %get3A_687 = tpu.vector_load %arg6[%get3A_686] {strides = array<i32>} : memref<1024xi32, #tpu.memory_space<vmem>>, vector<16xi32>,
      %get3A_688 = vector.shape_cast %get3A_687 : vector<16xi32> to vector<16xi32>
      %get3A_689 = arith.constant 832 : index
      %get3A_690 = tpu.vector_load %arg7[%get3A_689] {strides = array<i32>} : memref<1024xi32, #tpu.memory_space<vmem>>, vector<16xi32>,
      %get3A_691 = vector.shape_cast %get3A_690 : vector<16xi32> to vector<16xi32>
      %add3A_692 = arith.addi %get3A_688, %get3A_691 : vector<16xi32>
      %swap3A_693 = arith.constant 6 : i32
      %swap3A_694 = arith.index_cast %swap3A_693 : i32 to index
      %swap3A_695 = arith.constant 64 : index
      %swap3A_696 = tpu.vector_load %arg8[%swap3A_694, %swap3A_695] {strides = array<i32>} : memref<8x128xi32, #tpu.memory_space<vmem>>, vector<1x16xi32>,
      %swap3A_697 = vector.shape_cast %swap3A_696 : vector<1x16xi32> to vector<16xi32>
      %swap3A_698 = vector.shape_cast %add3A_692 : vector<16xi32> to vector<1x16xi32>
      tpu.vector_store %arg8[%swap3A_694, %swap3A_695], %swap3A_698 {strides = array<i32>} : memref<8x128xi32, #tpu.memory_space<vmem>>, vector<1x16xi32>,
      %get3A_699 = arith.constant 848 : index
      %get3A_700 = tpu.vector_load %arg6[%get3A_699] {strides = array<i32>} : memref<1024xi32, #tpu.memory_space<vmem>>, vector<16xi32>,
      %get3A_701 = vector.shape_cast %get3A_700 : vector<16xi32> to vector<16xi32>
      %get3A_702 = arith.constant 848 : index
      %get3A_703 = tpu.vector_load %arg7[%get3A_702] {strides = array<i32>} : memref<1024xi32, #tpu.memory_space<vmem>>, vector<16xi32>,
      %get3A_704 = vector.shape_cast %get3A_703 : vector<16xi32> to vector<16xi32>
      %add3A_705 = arith.addi %get3A_701, %get3A_704 : vector<16xi32>
      %swap3A_706 = arith.constant 6 : i32
      %swap3A_707 = arith.index_cast %swap3A_706 : i32 to index
      %swap3A_708 = arith.constant 80 : index
      %swap3A_709 = tpu.vector_load %arg8[%swap3A_707, %swap3A_708] {strides = array<i32>} : memref<8x128xi32, #tpu.memory_space<vmem>>, vector<1x16xi32>,
      %swap3A_710 = vector.shape_cast %swap3A_709 : vector<1x16xi32> to vector<16xi32>
      %swap3A_711 = vector.shape_cast %add3A_705 : vector<16xi32> to vector<1x16xi32>
      tpu.vector_store %arg8[%swap3A_707, %swap3A_708], %swap3A_711 {strides = array<i32>} : memref<8x128xi32, #tpu.memory_space<vmem>>, vector<1x16xi32>,
      %get3A_712 = arith.constant 864 : index
      %get3A_713 = tpu.vector_load %arg6[%get3A_712] {strides = array<i32>} : memref<1024xi32, #tpu.memory_space<vmem>>, vector<16xi32>,
      %get3A_714 = vector.shape_cast %get3A_713 : vector<16xi32> to vector<16xi32>
      %get3A_715 = arith.constant 864 : index
      %get3A_716 = tpu.vector_load %arg7[%get3A_715] {strides = array<i32>} : memref<1024xi32, #tpu.memory_space<vmem>>, vector<16xi32>,
      %get3A_717 = vector.shape_cast %get3A_716 : vector<16xi32> to vector<16xi32>
      %add3A_718 = arith.addi %get3A_714, %get3A_717 : vector<16xi32>
      %swap3A_719 = arith.constant 6 : i32
      %swap3A_720 = arith.index_cast %swap3A_719 : i32 to index
      %swap3A_721 = arith.constant 96 : index
      %swap3A_722 = tpu.vector_load %arg8[%swap3A_720, %swap3A_721] {strides = array<i32>} : memref<8x128xi32, #tpu.memory_space<vmem>>, vector<1x16xi32>,
      %swap3A_723 = vector.shape_cast %swap3A_722 : vector<1x16xi32> to vector<16xi32>
      %swap3A_724 = vector.shape_cast %add3A_718 : vector<16xi32> to vector<1x16xi32>
      tpu.vector_store %arg8[%swap3A_720, %swap3A_721], %swap3A_724 {strides = array<i32>} : memref<8x128xi32, #tpu.memory_space<vmem>>, vector<1x16xi32>,
      %get3A_725 = arith.constant 880 : index
      %get3A_726 = tpu.vector_load %arg6[%get3A_725] {strides = array<i32>} : memref<1024xi32, #tpu.memory_space<vmem>>, vector<16xi32>,
      %get3A_727 = vector.shape_cast %get3A_726 : vector<16xi32> to vector<16xi32>
      %get3A_728 = arith.constant 880 : index
      %get3A_729 = tpu.vector_load %arg7[%get3A_728] {strides = array<i32>} : memref<1024xi32, #tpu.memory_space<vmem>>, vector<16xi32>,
      %get3A_730 = vector.shape_cast %get3A_729 : vector<16xi32> to vector<16xi32>
      %add3A_731 = arith.addi %get3A_727, %get3A_730 : vector<16xi32>
      %swap3A_732 = arith.constant 6 : i32
      %swap3A_733 = arith.index_cast %swap3A_732 : i32 to index
      %swap3A_734 = arith.constant 112 : index
      %swap3A_735 = tpu.vector_load %arg8[%swap3A_733, %swap3A_734] {strides = array<i32>} : memref<8x128xi32, #tpu.memory_space<vmem>>, vector<1x16xi32>,
      %swap3A_736 = vector.shape_cast %swap3A_735 : vector<1x16xi32> to vector<16xi32>
      %swap3A_737 = vector.shape_cast %add3A_731 : vector<16xi32> to vector<1x16xi32>
      tpu.vector_store %arg8[%swap3A_733, %swap3A_734], %swap3A_737 {strides = array<i32>} : memref<8x128xi32, #tpu.memory_space<vmem>>, vector<1x16xi32>,
      %get3A_738 = arith.constant 896 : index
      %get3A_739 = tpu.vector_load %arg6[%get3A_738] {strides = array<i32>} : memref<1024xi32, #tpu.memory_space<vmem>>, vector<16xi32>,
      %get3A_740 = vector.shape_cast %get3A_739 : vector<16xi32> to vector<16xi32>
      %get3A_741 = arith.constant 896 : index
      %get3A_742 = tpu.vector_load %arg7[%get3A_741] {strides = array<i32>} : memref<1024xi32, #tpu.memory_space<vmem>>, vector<16xi32>,
      %get3A_743 = vector.shape_cast %get3A_742 : vector<16xi32> to vector<16xi32>
      %add3A_744 = arith.addi %get3A_740, %get3A_743 : vector<16xi32>
      %swap3A_745 = arith.constant 7 : i32
      %swap3A_746 = arith.index_cast %swap3A_745 : i32 to index
      %swap3A_747 = arith.constant 0 : index
      %swap3A_748 = tpu.vector_load %arg8[%swap3A_746, %swap3A_747] {strides = array<i32>} : memref<8x128xi32, #tpu.memory_space<vmem>>, vector<1x16xi32>,
      %swap3A_749 = vector.shape_cast %swap3A_748 : vector<1x16xi32> to vector<16xi32>
      %swap3A_750 = vector.shape_cast %add3A_744 : vector<16xi32> to vector<1x16xi32>
      tpu.vector_store %arg8[%swap3A_746, %swap3A_747], %swap3A_750 {strides = array<i32>} : memref<8x128xi32, #tpu.memory_space<vmem>>, vector<1x16xi32>,
      %get3A_751 = arith.constant 912 : index
      %get3A_752 = tpu.vector_load %arg6[%get3A_751] {strides = array<i32>} : memref<1024xi32, #tpu.memory_space<vmem>>, vector<16xi32>,
      %get3A_753 = vector.shape_cast %get3A_752 : vector<16xi32> to vector<16xi32>
      %get3A_754 = arith.constant 912 : index
      %get3A_755 = tpu.vector_load %arg7[%get3A_754] {strides = array<i32>} : memref<1024xi32, #tpu.memory_space<vmem>>, vector<16xi32>,
      %get3A_756 = vector.shape_cast %get3A_755 : vector<16xi32> to vector<16xi32>
      %add3A_757 = arith.addi %get3A_753, %get3A_756 : vector<16xi32>
      %swap3A_758 = arith.constant 7 : i32
      %swap3A_759 = arith.index_cast %swap3A_758 : i32 to index
      %swap3A_760 = arith.constant 16 : index
      %swap3A_761 = tpu.vector_load %arg8[%swap3A_759, %swap3A_760] {strides = array<i32>} : memref<8x128xi32, #tpu.memory_space<vmem>>, vector<1x16xi32>,
      %swap3A_762 = vector.shape_cast %swap3A_761 : vector<1x16xi32> to vector<16xi32>
      %swap3A_763 = vector.shape_cast %add3A_757 : vector<16xi32> to vector<1x16xi32>
      tpu.vector_store %arg8[%swap3A_759, %swap3A_760], %swap3A_763 {strides = array<i32>} : memref<8x128xi32, #tpu.memory_space<vmem>>, vector<1x16xi32>,
      %get3A_764 = arith.constant 928 : index
      %get3A_765 = tpu.vector_load %arg6[%get3A_764] {strides = array<i32>} : memref<1024xi32, #tpu.memory_space<vmem>>, vector<16xi32>,
      %get3A_766 = vector.shape_cast %get3A_765 : vector<16xi32> to vector<16xi32>
      %get3A_767 = arith.constant 928 : index
      %get3A_768 = tpu.vector_load %arg7[%get3A_767] {strides = array<i32>} : memref<1024xi32, #tpu.memory_space<vmem>>, vector<16xi32>,
      %get3A_769 = vector.shape_cast %get3A_768 : vector<16xi32> to vector<16xi32>
      %add3A_770 = arith.addi %get3A_766, %get3A_769 : vector<16xi32>
      %swap3A_771 = arith.constant 7 : i32
      %swap3A_772 = arith.index_cast %swap3A_771 : i32 to index
      %swap3A_773 = arith.constant 32 : index
      %swap3A_774 = tpu.vector_load %arg8[%swap3A_772, %swap3A_773] {strides = array<i32>} : memref<8x128xi32, #tpu.memory_space<vmem>>, vector<1x16xi32>,
      %swap3A_775 = vector.shape_cast %swap3A_774 : vector<1x16xi32> to vector<16xi32>
      %swap3A_776 = vector.shape_cast %add3A_770 : vector<16xi32> to vector<1x16xi32>
      tpu.vector_store %arg8[%swap3A_772, %swap3A_773], %swap3A_776 {strides = array<i32>} : memref<8x128xi32, #tpu.memory_space<vmem>>, vector<1x16xi32>,
      %get3A_777 = arith.constant 944 : index
      %get3A_778 = tpu.vector_load %arg6[%get3A_777] {strides = array<i32>} : memref<1024xi32, #tpu.memory_space<vmem>>, vector<16xi32>,
      %get3A_779 = vector.shape_cast %get3A_778 : vector<16xi32> to vector<16xi32>
      %get3A_780 = arith.constant 944 : index
      %get3A_781 = tpu.vector_load %arg7[%get3A_780] {strides = array<i32>} : memref<1024xi32, #tpu.memory_space<vmem>>, vector<16xi32>,
      %get3A_782 = vector.shape_cast %get3A_781 : vector<16xi32> to vector<16xi32>
      %add3A_783 = arith.addi %get3A_779, %get3A_782 : vector<16xi32>
      %swap3A_784 = arith.constant 7 : i32
      %swap3A_785 = arith.index_cast %swap3A_784 : i32 to index
      %swap3A_786 = arith.constant 48 : index
      %swap3A_787 = tpu.vector_load %arg8[%swap3A_785, %swap3A_786] {strides = array<i32>} : memref<8x128xi32, #tpu.memory_space<vmem>>, vector<1x16xi32>,
      %swap3A_788 = vector.shape_cast %swap3A_787 : vector<1x16xi32> to vector<16xi32>
      %swap3A_789 = vector.shape_cast %add3A_783 : vector<16xi32> to vector<1x16xi32>
      tpu.vector_store %arg8[%swap3A_785, %swap3A_786], %swap3A_789 {strides = array<i32>} : memref<8x128xi32, #tpu.memory_space<vmem>>, vector<1x16xi32>,
      %get3A_790 = arith.constant 960 : index
      %get3A_791 = tpu.vector_load %arg6[%get3A_790] {strides = array<i32>} : memref<1024xi32, #tpu.memory_space<vmem>>, vector<16xi32>,
      %get3A_792 = vector.shape_cast %get3A_791 : vector<16xi32> to vector<16xi32>
      %get3A_793 = arith.constant 960 : index
      %get3A_794 = tpu.vector_load %arg7[%get3A_793] {strides = array<i32>} : memref<1024xi32, #tpu.memory_space<vmem>>, vector<16xi32>,
      %get3A_795 = vector.shape_cast %get3A_794 : vector<16xi32> to vector<16xi32>
      %add3A_796 = arith.addi %get3A_792, %get3A_795 : vector<16xi32>
      %swap3A_797 = arith.constant 7 : i32
      %swap3A_798 = arith.index_cast %swap3A_797 : i32 to index
      %swap3A_799 = arith.constant 64 : index
      %swap3A_800 = tpu.vector_load %arg8[%swap3A_798, %swap3A_799] {strides = array<i32>} : memref<8x128xi32, #tpu.memory_space<vmem>>, vector<1x16xi32>,
      %swap3A_801 = vector.shape_cast %swap3A_800 : vector<1x16xi32> to vector<16xi32>
      %swap3A_802 = vector.shape_cast %add3A_796 : vector<16xi32> to vector<1x16xi32>
      tpu.vector_store %arg8[%swap3A_798, %swap3A_799], %swap3A_802 {strides = array<i32>} : memref<8x128xi32, #tpu.memory_space<vmem>>, vector<1x16xi32>,
      %get3A_803 = arith.constant 976 : index
      %get3A_804 = tpu.vector_load %arg6[%get3A_803] {strides = array<i32>} : memref<1024xi32, #tpu.memory_space<vmem>>, vector<16xi32>,
      %get3A_805 = vector.shape_cast %get3A_804 : vector<16xi32> to vector<16xi32>
      %get3A_806 = arith.constant 976 : index
      %get3A_807 = tpu.vector_load %arg7[%get3A_806] {strides = array<i32>} : memref<1024xi32, #tpu.memory_space<vmem>>, vector<16xi32>,
      %get3A_808 = vector.shape_cast %get3A_807 : vector<16xi32> to vector<16xi32>
      %add3A_809 = arith.addi %get3A_805, %get3A_808 : vector<16xi32>
      %swap3A_810 = arith.constant 7 : i32
      %swap3A_811 = arith.index_cast %swap3A_810 : i32 to index
      %swap3A_812 = arith.constant 80 : index
      %swap3A_813 = tpu.vector_load %arg8[%swap3A_811, %swap3A_812] {strides = array<i32>} : memref<8x128xi32, #tpu.memory_space<vmem>>, vector<1x16xi32>,
      %swap3A_814 = vector.shape_cast %swap3A_813 : vector<1x16xi32> to vector<16xi32>
      %swap3A_815 = vector.shape_cast %add3A_809 : vector<16xi32> to vector<1x16xi32>
      tpu.vector_store %arg8[%swap3A_811, %swap3A_812], %swap3A_815 {strides = array<i32>} : memref<8x128xi32, #tpu.memory_space<vmem>>, vector<1x16xi32>,
      %get3A_816 = arith.constant 992 : index
      %get3A_817 = tpu.vector_load %arg6[%get3A_816] {strides = array<i32>} : memref<1024xi32, #tpu.memory_space<vmem>>, vector<16xi32>,
      %get3A_818 = vector.shape_cast %get3A_817 : vector<16xi32> to vector<16xi32>
      %get3A_819 = arith.constant 992 : index
      %get3A_820 = tpu.vector_load %arg7[%get3A_819] {strides = array<i32>} : memref<1024xi32, #tpu.memory_space<vmem>>, vector<16xi32>,
      %get3A_821 = vector.shape_cast %get3A_820 : vector<16xi32> to vector<16xi32>
      %add3A_822 = arith.addi %get3A_818, %get3A_821 : vector<16xi32>
      %swap3A_823 = arith.constant 7 : i32
      %swap3A_824 = arith.index_cast %swap3A_823 : i32 to index
      %swap3A_825 = arith.constant 96 : index
      %swap3A_826 = tpu.vector_load %arg8[%swap3A_824, %swap3A_825] {strides = array<i32>} : memref<8x128xi32, #tpu.memory_space<vmem>>, vector<1x16xi32>,
      %swap3A_827 = vector.shape_cast %swap3A_826 : vector<1x16xi32> to vector<16xi32>
      %swap3A_828 = vector.shape_cast %add3A_822 : vector<16xi32> to vector<1x16xi32>
      tpu.vector_store %arg8[%swap3A_824, %swap3A_825], %swap3A_828 {strides = array<i32>} : memref<8x128xi32, #tpu.memory_space<vmem>>, vector<1x16xi32>,
      %get3A_829 = arith.constant 1008 : index
      %get3A_830 = tpu.vector_load %arg6[%get3A_829] {strides = array<i32>} : memref<1024xi32, #tpu.memory_space<vmem>>, vector<16xi32>,
      %get3A_831 = vector.shape_cast %get3A_830 : vector<16xi32> to vector<16xi32>
      %get3A_832 = arith.constant 1008 : index
      %get3A_833 = tpu.vector_load %arg7[%get3A_832] {strides = array<i32>} : memref<1024xi32, #tpu.memory_space<vmem>>, vector<16xi32>,
      %get3A_834 = vector.shape_cast %get3A_833 : vector<16xi32> to vector<16xi32>
      %add3A_835 = arith.addi %get3A_831, %get3A_834 : vector<16xi32>
      %swap3A_836 = arith.constant 7 : i32
      %swap3A_837 = arith.index_cast %swap3A_836 : i32 to index
      %swap3A_838 = arith.constant 112 : index
      %swap3A_839 = tpu.vector_load %arg8[%swap3A_837, %swap3A_838] {strides = array<i32>} : memref<8x128xi32, #tpu.memory_space<vmem>>, vector<1x16xi32>,
      %swap3A_840 = vector.shape_cast %swap3A_839 : vector<1x16xi32> to vector<16xi32>
      %swap3A_841 = vector.shape_cast %add3A_835 : vector<16xi32> to vector<1x16xi32>
      tpu.vector_store %arg8[%swap3A_837, %swap3A_838], %swap3A_841 {strides = array<i32>} : memref<8x128xi32, #tpu.memory_space<vmem>>, vector<1x16xi32>,
      %dma_start3A = arith.constant 0 : i32
      %dma_start3A_842 = arith.constant 0 : i32
      %dma_start3A_843 = arith.constant 0 : i32
      %dma_start3A_844 = tpu.memref_slice %arg9[%dma_start3A_842, %dma_start3A_843] : memref<1024x56xf32, #tpu.memory_space<vmem>> -> memref<128x56xf32, #tpu.memory_space<vmem>>
      %dma_start3A_845 = arith.constant 0 : i32
      %dma_start3A_846 = tpu.memref_slice %arg8[%dma_start3A, %dma_start3A_845] : memref<8x128xi32, #tpu.memory_space<vmem>> -> memref<1x128xi32, #tpu.memory_space<vmem>>
      %dma_start3A_847 = tpu.memref_squeeze %dma_start3A_846 : memref<1x128xi32, #tpu.memory_space<vmem>> -> memref<128xi32, #tpu.memory_space<vmem>>
      %dma_start3A_848 = arith.constant 0 : i32
      %dma_start3A_849 = arith.constant 0 : i32
      %dma_start3A_850 = tpu.memref_slice %arg2[%dma_start3A_848, %dma_start3A_849] : memref<2600026x56xf32, #tpu.memory_space<hbm>> -> memref<2600026x56xf32, #tpu.memory_space<hbm>>
      tpu.enqueue_indirect_dma source(%dma_start3A_850 : memref<2600026x56xf32, #tpu.memory_space<hbm>>) target(%dma_start3A_844 : memref<128x56xf32, #tpu.memory_space<vmem>>) offsets(%dma_start3A_847 : memref<128xi32, #tpu.memory_space<vmem>>) semaphore(%arg10 : memref<!tpu.dma_semaphore, #tpu.memory_space<semaphore_mem>>)
      %dma_start3A_851 = arith.constant 1 : i32
      %dma_start3A_852 = arith.constant 128 : i32
      %dma_start3A_853 = arith.constant 0 : i32
      %dma_start3A_854 = tpu.memref_slice %arg9[%dma_start3A_852, %dma_start3A_853] : memref<1024x56xf32, #tpu.memory_space<vmem>> -> memref<128x56xf32, #tpu.memory_space<vmem>>
      %dma_start3A_855 = arith.constant 0 : i32
      %dma_start3A_856 = tpu.memref_slice %arg8[%dma_start3A_851, %dma_start3A_855] : memref<8x128xi32, #tpu.memory_space<vmem>> -> memref<1x128xi32, #tpu.memory_space<vmem>>
      %dma_start3A_857 = tpu.memref_squeeze %dma_start3A_856 : memref<1x128xi32, #tpu.memory_space<vmem>> -> memref<128xi32, #tpu.memory_space<vmem>>
      %dma_start3A_858 = arith.constant 0 : i32
      %dma_start3A_859 = arith.constant 0 : i32
      %dma_start3A_860 = tpu.memref_slice %arg2[%dma_start3A_858, %dma_start3A_859] : memref<2600026x56xf32, #tpu.memory_space<hbm>> -> memref<2600026x56xf32, #tpu.memory_space<hbm>>
      tpu.enqueue_indirect_dma source(%dma_start3A_860 : memref<2600026x56xf32, #tpu.memory_space<hbm>>) target(%dma_start3A_854 : memref<128x56xf32, #tpu.memory_space<vmem>>) offsets(%dma_start3A_857 : memref<128xi32, #tpu.memory_space<vmem>>) semaphore(%arg10 : memref<!tpu.dma_semaphore, #tpu.memory_space<semaphore_mem>>)
      %dma_start3A_861 = arith.constant 2 : i32
      %dma_start3A_862 = arith.constant 256 : i32
      %dma_start3A_863 = arith.constant 0 : i32
      %dma_start3A_864 = tpu.memref_slice %arg9[%dma_start3A_862, %dma_start3A_863] : memref<1024x56xf32, #tpu.memory_space<vmem>> -> memref<128x56xf32, #tpu.memory_space<vmem>>
      %dma_start3A_865 = arith.constant 0 : i32
      %dma_start3A_866 = tpu.memref_slice %arg8[%dma_start3A_861, %dma_start3A_865] : memref<8x128xi32, #tpu.memory_space<vmem>> -> memref<1x128xi32, #tpu.memory_space<vmem>>
      %dma_start3A_867 = tpu.memref_squeeze %dma_start3A_866 : memref<1x128xi32, #tpu.memory_space<vmem>> -> memref<128xi32, #tpu.memory_space<vmem>>
      %dma_start3A_868 = arith.constant 0 : i32
      %dma_start3A_869 = arith.constant 0 : i32
      %dma_start3A_870 = tpu.memref_slice %arg2[%dma_start3A_868, %dma_start3A_869] : memref<2600026x56xf32, #tpu.memory_space<hbm>> -> memref<2600026x56xf32, #tpu.memory_space<hbm>>
      tpu.enqueue_indirect_dma source(%dma_start3A_870 : memref<2600026x56xf32, #tpu.memory_space<hbm>>) target(%dma_start3A_864 : memref<128x56xf32, #tpu.memory_space<vmem>>) offsets(%dma_start3A_867 : memref<128xi32, #tpu.memory_space<vmem>>) semaphore(%arg10 : memref<!tpu.dma_semaphore, #tpu.memory_space<semaphore_mem>>)
      %dma_start3A_871 = arith.constant 3 : i32
      %dma_start3A_872 = arith.constant 384 : i32
      %dma_start3A_873 = arith.constant 0 : i32
      %dma_start3A_874 = tpu.memref_slice %arg9[%dma_start3A_872, %dma_start3A_873] : memref<1024x56xf32, #tpu.memory_space<vmem>> -> memref<128x56xf32, #tpu.memory_space<vmem>>
      %dma_start3A_875 = arith.constant 0 : i32
      %dma_start3A_876 = tpu.memref_slice %arg8[%dma_start3A_871, %dma_start3A_875] : memref<8x128xi32, #tpu.memory_space<vmem>> -> memref<1x128xi32, #tpu.memory_space<vmem>>
      %dma_start3A_877 = tpu.memref_squeeze %dma_start3A_876 : memref<1x128xi32, #tpu.memory_space<vmem>> -> memref<128xi32, #tpu.memory_space<vmem>>
      %dma_start3A_878 = arith.constant 0 : i32
      %dma_start3A_879 = arith.constant 0 : i32
      %dma_start3A_880 = tpu.memref_slice %arg2[%dma_start3A_878, %dma_start3A_879] : memref<2600026x56xf32, #tpu.memory_space<hbm>> -> memref<2600026x56xf32, #tpu.memory_space<hbm>>
      tpu.enqueue_indirect_dma source(%dma_start3A_880 : memref<2600026x56xf32, #tpu.memory_space<hbm>>) target(%dma_start3A_874 : memref<128x56xf32, #tpu.memory_space<vmem>>) offsets(%dma_start3A_877 : memref<128xi32, #tpu.memory_space<vmem>>) semaphore(%arg10 : memref<!tpu.dma_semaphore, #tpu.memory_space<semaphore_mem>>)
      %dma_start3A_881 = arith.constant 4 : i32
      %dma_start3A_882 = arith.constant 512 : i32
      %dma_start3A_883 = arith.constant 0 : i32
      %dma_start3A_884 = tpu.memref_slice %arg9[%dma_start3A_882, %dma_start3A_883] : memref<1024x56xf32, #tpu.memory_space<vmem>> -> memref<128x56xf32, #tpu.memory_space<vmem>>
      %dma_start3A_885 = arith.constant 0 : i32
      %dma_start3A_886 = tpu.memref_slice %arg8[%dma_start3A_881, %dma_start3A_885] : memref<8x128xi32, #tpu.memory_space<vmem>> -> memref<1x128xi32, #tpu.memory_space<vmem>>
      %dma_start3A_887 = tpu.memref_squeeze %dma_start3A_886 : memref<1x128xi32, #tpu.memory_space<vmem>> -> memref<128xi32, #tpu.memory_space<vmem>>
      %dma_start3A_888 = arith.constant 0 : i32
      %dma_start3A_889 = arith.constant 0 : i32
      %dma_start3A_890 = tpu.memref_slice %arg2[%dma_start3A_888, %dma_start3A_889] : memref<2600026x56xf32, #tpu.memory_space<hbm>> -> memref<2600026x56xf32, #tpu.memory_space<hbm>>
      tpu.enqueue_indirect_dma source(%dma_start3A_890 : memref<2600026x56xf32, #tpu.memory_space<hbm>>) target(%dma_start3A_884 : memref<128x56xf32, #tpu.memory_space<vmem>>) offsets(%dma_start3A_887 : memref<128xi32, #tpu.memory_space<vmem>>) semaphore(%arg10 : memref<!tpu.dma_semaphore, #tpu.memory_space<semaphore_mem>>)
      %dma_start3A_891 = arith.constant 5 : i32
      %dma_start3A_892 = arith.constant 640 : i32
      %dma_start3A_893 = arith.constant 0 : i32
      %dma_start3A_894 = tpu.memref_slice %arg9[%dma_start3A_892, %dma_start3A_893] : memref<1024x56xf32, #tpu.memory_space<vmem>> -> memref<128x56xf32, #tpu.memory_space<vmem>>
      %dma_start3A_895 = arith.constant 0 : i32
      %dma_start3A_896 = tpu.memref_slice %arg8[%dma_start3A_891, %dma_start3A_895] : memref<8x128xi32, #tpu.memory_space<vmem>> -> memref<1x128xi32, #tpu.memory_space<vmem>>
      %dma_start3A_897 = tpu.memref_squeeze %dma_start3A_896 : memref<1x128xi32, #tpu.memory_space<vmem>> -> memref<128xi32, #tpu.memory_space<vmem>>
      %dma_start3A_898 = arith.constant 0 : i32
      %dma_start3A_899 = arith.constant 0 : i32
      %dma_start3A_900 = tpu.memref_slice %arg2[%dma_start3A_898, %dma_start3A_899] : memref<2600026x56xf32, #tpu.memory_space<hbm>> -> memref<2600026x56xf32, #tpu.memory_space<hbm>>
      tpu.enqueue_indirect_dma source(%dma_start3A_900 : memref<2600026x56xf32, #tpu.memory_space<hbm>>) target(%dma_start3A_894 : memref<128x56xf32, #tpu.memory_space<vmem>>) offsets(%dma_start3A_897 : memref<128xi32, #tpu.memory_space<vmem>>) semaphore(%arg10 : memref<!tpu.dma_semaphore, #tpu.memory_space<semaphore_mem>>)
      %dma_start3A_901 = arith.constant 6 : i32
      %dma_start3A_902 = arith.constant 768 : i32
      %dma_start3A_903 = arith.constant 0 : i32
      %dma_start3A_904 = tpu.memref_slice %arg9[%dma_start3A_902, %dma_start3A_903] : memref<1024x56xf32, #tpu.memory_space<vmem>> -> memref<128x56xf32, #tpu.memory_space<vmem>>
      %dma_start3A_905 = arith.constant 0 : i32
      %dma_start3A_906 = tpu.memref_slice %arg8[%dma_start3A_901, %dma_start3A_905] : memref<8x128xi32, #tpu.memory_space<vmem>> -> memref<1x128xi32, #tpu.memory_space<vmem>>
      %dma_start3A_907 = tpu.memref_squeeze %dma_start3A_906 : memref<1x128xi32, #tpu.memory_space<vmem>> -> memref<128xi32, #tpu.memory_space<vmem>>
      %dma_start3A_908 = arith.constant 0 : i32
      %dma_start3A_909 = arith.constant 0 : i32
      %dma_start3A_910 = tpu.memref_slice %arg2[%dma_start3A_908, %dma_start3A_909] : memref<2600026x56xf32, #tpu.memory_space<hbm>> -> memref<2600026x56xf32, #tpu.memory_space<hbm>>
      tpu.enqueue_indirect_dma source(%dma_start3A_910 : memref<2600026x56xf32, #tpu.memory_space<hbm>>) target(%dma_start3A_904 : memref<128x56xf32, #tpu.memory_space<vmem>>) offsets(%dma_start3A_907 : memref<128xi32, #tpu.memory_space<vmem>>) semaphore(%arg10 : memref<!tpu.dma_semaphore, #tpu.memory_space<semaphore_mem>>)
      %dma_start3A_911 = arith.constant 7 : i32
      %dma_start3A_912 = arith.constant 896 : i32
      %dma_start3A_913 = arith.constant 0 : i32
      %dma_start3A_914 = tpu.memref_slice %arg9[%dma_start3A_912, %dma_start3A_913] : memref<1024x56xf32, #tpu.memory_space<vmem>> -> memref<128x56xf32, #tpu.memory_space<vmem>>
      %dma_start3A_915 = arith.constant 0 : i32
      %dma_start3A_916 = tpu.memref_slice %arg8[%dma_start3A_911, %dma_start3A_915] : memref<8x128xi32, #tpu.memory_space<vmem>> -> memref<1x128xi32, #tpu.memory_space<vmem>>
      %dma_start3A_917 = tpu.memref_squeeze %dma_start3A_916 : memref<1x128xi32, #tpu.memory_space<vmem>> -> memref<128xi32, #tpu.memory_space<vmem>>
      %dma_start3A_918 = arith.constant 0 : i32
      %dma_start3A_919 = arith.constant 0 : i32
      %dma_start3A_920 = tpu.memref_slice %arg2[%dma_start3A_918, %dma_start3A_919] : memref<2600026x56xf32, #tpu.memory_space<hbm>> -> memref<2600026x56xf32, #tpu.memory_space<hbm>>
      tpu.enqueue_indirect_dma source(%dma_start3A_920 : memref<2600026x56xf32, #tpu.memory_space<hbm>>) target(%dma_start3A_914 : memref<128x56xf32, #tpu.memory_space<vmem>>) offsets(%dma_start3A_917 : memref<128xi32, #tpu.memory_space<vmem>>) semaphore(%arg10 : memref<!tpu.dma_semaphore, #tpu.memory_space<semaphore_mem>>)
      %dma_wait3A = arith.constant 0 : i32
      %dma_wait3A_921 = arith.constant 0 : i32
      %dma_wait3A_922 = arith.constant 0 : i32
      %dma_wait3A_923 = tpu.memref_slice %arg9[%dma_wait3A_921, %dma_wait3A_922] : memref<1024x56xf32, #tpu.memory_space<vmem>> -> memref<128x56xf32, #tpu.memory_space<vmem>>
      %dma_wait3A_924 = arith.constant 0 : i32
      %dma_wait3A_925 = tpu.memref_slice %arg8[%dma_wait3A, %dma_wait3A_924] : memref<8x128xi32, #tpu.memory_space<vmem>> -> memref<1x128xi32, #tpu.memory_space<vmem>>
      %dma_wait3A_926 = tpu.memref_squeeze %dma_wait3A_925 : memref<1x128xi32, #tpu.memory_space<vmem>> -> memref<128xi32, #tpu.memory_space<vmem>>
      %dma_wait3A_927 = arith.constant 0 : i32
      %dma_wait3A_928 = arith.constant 0 : i32
      %dma_wait3A_929 = tpu.memref_slice %arg2[%dma_wait3A_927, %dma_wait3A_928] : memref<2600026x56xf32, #tpu.memory_space<hbm>> -> memref<2600026x56xf32, #tpu.memory_space<hbm>>
      tpu.wait_indirect_dma semaphore(%arg10 : memref<!tpu.dma_semaphore, #tpu.memory_space<semaphore_mem>>) src(%dma_wait3A_929 : memref<2600026x56xf32, #tpu.memory_space<hbm>>) dst(%dma_wait3A_923 : memref<128x56xf32, #tpu.memory_space<vmem>>)
      %dma_wait3A_930 = arith.constant 1 : i32
      %dma_wait3A_931 = arith.constant 128 : i32
      %dma_wait3A_932 = arith.constant 0 : i32
      %dma_wait3A_933 = tpu.memref_slice %arg9[%dma_wait3A_931, %dma_wait3A_932] : memref<1024x56xf32, #tpu.memory_space<vmem>> -> memref<128x56xf32, #tpu.memory_space<vmem>>
      %dma_wait3A_934 = arith.constant 0 : i32
      %dma_wait3A_935 = tpu.memref_slice %arg8[%dma_wait3A_930, %dma_wait3A_934] : memref<8x128xi32, #tpu.memory_space<vmem>> -> memref<1x128xi32, #tpu.memory_space<vmem>>
      %dma_wait3A_936 = tpu.memref_squeeze %dma_wait3A_935 : memref<1x128xi32, #tpu.memory_space<vmem>> -> memref<128xi32, #tpu.memory_space<vmem>>
      %dma_wait3A_937 = arith.constant 0 : i32
      %dma_wait3A_938 = arith.constant 0 : i32
      %dma_wait3A_939 = tpu.memref_slice %arg2[%dma_wait3A_937, %dma_wait3A_938] : memref<2600026x56xf32, #tpu.memory_space<hbm>> -> memref<2600026x56xf32, #tpu.memory_space<hbm>>
      tpu.wait_indirect_dma semaphore(%arg10 : memref<!tpu.dma_semaphore, #tpu.memory_space<semaphore_mem>>) src(%dma_wait3A_939 : memref<2600026x56xf32, #tpu.memory_space<hbm>>) dst(%dma_wait3A_933 : memref<128x56xf32, #tpu.memory_space<vmem>>)
      %dma_wait3A_940 = arith.constant 2 : i32
      %dma_wait3A_941 = arith.constant 256 : i32
      %dma_wait3A_942 = arith.constant 0 : i32
      %dma_wait3A_943 = tpu.memref_slice %arg9[%dma_wait3A_941, %dma_wait3A_942] : memref<1024x56xf32, #tpu.memory_space<vmem>> -> memref<128x56xf32, #tpu.memory_space<vmem>>
      %dma_wait3A_944 = arith.constant 0 : i32
      %dma_wait3A_945 = tpu.memref_slice %arg8[%dma_wait3A_940, %dma_wait3A_944] : memref<8x128xi32, #tpu.memory_space<vmem>> -> memref<1x128xi32, #tpu.memory_space<vmem>>
      %dma_wait3A_946 = tpu.memref_squeeze %dma_wait3A_945 : memref<1x128xi32, #tpu.memory_space<vmem>> -> memref<128xi32, #tpu.memory_space<vmem>>
      %dma_wait3A_947 = arith.constant 0 : i32
      %dma_wait3A_948 = arith.constant 0 : i32
      %dma_wait3A_949 = tpu.memref_slice %arg2[%dma_wait3A_947, %dma_wait3A_948] : memref<2600026x56xf32, #tpu.memory_space<hbm>> -> memref<2600026x56xf32, #tpu.memory_space<hbm>>
      tpu.wait_indirect_dma semaphore(%arg10 : memref<!tpu.dma_semaphore, #tpu.memory_space<semaphore_mem>>) src(%dma_wait3A_949 : memref<2600026x56xf32, #tpu.memory_space<hbm>>) dst(%dma_wait3A_943 : memref<128x56xf32, #tpu.memory_space<vmem>>)
      %dma_wait3A_950 = arith.constant 3 : i32
      %dma_wait3A_951 = arith.constant 384 : i32
      %dma_wait3A_952 = arith.constant 0 : i32
      %dma_wait3A_953 = tpu.memref_slice %arg9[%dma_wait3A_951, %dma_wait3A_952] : memref<1024x56xf32, #tpu.memory_space<vmem>> -> memref<128x56xf32, #tpu.memory_space<vmem>>
      %dma_wait3A_954 = arith.constant 0 : i32
      %dma_wait3A_955 = tpu.memref_slice %arg8[%dma_wait3A_950, %dma_wait3A_954] : memref<8x128xi32, #tpu.memory_space<vmem>> -> memref<1x128xi32, #tpu.memory_space<vmem>>
      %dma_wait3A_956 = tpu.memref_squeeze %dma_wait3A_955 : memref<1x128xi32, #tpu.memory_space<vmem>> -> memref<128xi32, #tpu.memory_space<vmem>>
      %dma_wait3A_957 = arith.constant 0 : i32
      %dma_wait3A_958 = arith.constant 0 : i32
      %dma_wait3A_959 = tpu.memref_slice %arg2[%dma_wait3A_957, %dma_wait3A_958] : memref<2600026x56xf32, #tpu.memory_space<hbm>> -> memref<2600026x56xf32, #tpu.memory_space<hbm>>
      tpu.wait_indirect_dma semaphore(%arg10 : memref<!tpu.dma_semaphore, #tpu.memory_space<semaphore_mem>>) src(%dma_wait3A_959 : memref<2600026x56xf32, #tpu.memory_space<hbm>>) dst(%dma_wait3A_953 : memref<128x56xf32, #tpu.memory_space<vmem>>)
      %dma_wait3A_960 = arith.constant 4 : i32
      %dma_wait3A_961 = arith.constant 512 : i32
      %dma_wait3A_962 = arith.constant 0 : i32
      %dma_wait3A_963 = tpu.memref_slice %arg9[%dma_wait3A_961, %dma_wait3A_962] : memref<1024x56xf32, #tpu.memory_space<vmem>> -> memref<128x56xf32, #tpu.memory_space<vmem>>
      %dma_wait3A_964 = arith.constant 0 : i32
      %dma_wait3A_965 = tpu.memref_slice %arg8[%dma_wait3A_960, %dma_wait3A_964] : memref<8x128xi32, #tpu.memory_space<vmem>> -> memref<1x128xi32, #tpu.memory_space<vmem>>
      %dma_wait3A_966 = tpu.memref_squeeze %dma_wait3A_965 : memref<1x128xi32, #tpu.memory_space<vmem>> -> memref<128xi32, #tpu.memory_space<vmem>>
      %dma_wait3A_967 = arith.constant 0 : i32
      %dma_wait3A_968 = arith.constant 0 : i32
      %dma_wait3A_969 = tpu.memref_slice %arg2[%dma_wait3A_967, %dma_wait3A_968] : memref<2600026x56xf32, #tpu.memory_space<hbm>> -> memref<2600026x56xf32, #tpu.memory_space<hbm>>
      tpu.wait_indirect_dma semaphore(%arg10 : memref<!tpu.dma_semaphore, #tpu.memory_space<semaphore_mem>>) src(%dma_wait3A_969 : memref<2600026x56xf32, #tpu.memory_space<hbm>>) dst(%dma_wait3A_963 : memref<128x56xf32, #tpu.memory_space<vmem>>)
      %dma_wait3A_970 = arith.constant 5 : i32
      %dma_wait3A_971 = arith.constant 640 : i32
      %dma_wait3A_972 = arith.constant 0 : i32
      %dma_wait3A_973 = tpu.memref_slice %arg9[%dma_wait3A_971, %dma_wait3A_972] : memref<1024x56xf32, #tpu.memory_space<vmem>> -> memref<128x56xf32, #tpu.memory_space<vmem>>
      %dma_wait3A_974 = arith.constant 0 : i32
      %dma_wait3A_975 = tpu.memref_slice %arg8[%dma_wait3A_970, %dma_wait3A_974] : memref<8x128xi32, #tpu.memory_space<vmem>> -> memref<1x128xi32, #tpu.memory_space<vmem>>
      %dma_wait3A_976 = tpu.memref_squeeze %dma_wait3A_975 : memref<1x128xi32, #tpu.memory_space<vmem>> -> memref<128xi32, #tpu.memory_space<vmem>>
      %dma_wait3A_977 = arith.constant 0 : i32
      %dma_wait3A_978 = arith.constant 0 : i32
      %dma_wait3A_979 = tpu.memref_slice %arg2[%dma_wait3A_977, %dma_wait3A_978] : memref<2600026x56xf32, #tpu.memory_space<hbm>> -> memref<2600026x56xf32, #tpu.memory_space<hbm>>
      tpu.wait_indirect_dma semaphore(%arg10 : memref<!tpu.dma_semaphore, #tpu.memory_space<semaphore_mem>>) src(%dma_wait3A_979 : memref<2600026x56xf32, #tpu.memory_space<hbm>>) dst(%dma_wait3A_973 : memref<128x56xf32, #tpu.memory_space<vmem>>)
      %dma_wait3A_980 = arith.constant 6 : i32
      %dma_wait3A_981 = arith.constant 768 : i32
      %dma_wait3A_982 = arith.constant 0 : i32
      %dma_wait3A_983 = tpu.memref_slice %arg9[%dma_wait3A_981, %dma_wait3A_982] : memref<1024x56xf32, #tpu.memory_space<vmem>> -> memref<128x56xf32, #tpu.memory_space<vmem>>
      %dma_wait3A_984 = arith.constant 0 : i32
      %dma_wait3A_985 = tpu.memref_slice %arg8[%dma_wait3A_980, %dma_wait3A_984] : memref<8x128xi32, #tpu.memory_space<vmem>> -> memref<1x128xi32, #tpu.memory_space<vmem>>
      %dma_wait3A_986 = tpu.memref_squeeze %dma_wait3A_985 : memref<1x128xi32, #tpu.memory_space<vmem>> -> memref<128xi32, #tpu.memory_space<vmem>>
      %dma_wait3A_987 = arith.constant 0 : i32
      %dma_wait3A_988 = arith.constant 0 : i32
      %dma_wait3A_989 = tpu.memref_slice %arg2[%dma_wait3A_987, %dma_wait3A_988] : memref<2600026x56xf32, #tpu.memory_space<hbm>> -> memref<2600026x56xf32, #tpu.memory_space<hbm>>
      tpu.wait_indirect_dma semaphore(%arg10 : memref<!tpu.dma_semaphore, #tpu.memory_space<semaphore_mem>>) src(%dma_wait3A_989 : memref<2600026x56xf32, #tpu.memory_space<hbm>>) dst(%dma_wait3A_983 : memref<128x56xf32, #tpu.memory_space<vmem>>)
      %dma_wait3A_990 = arith.constant 7 : i32
      %dma_wait3A_991 = arith.constant 896 : i32
      %dma_wait3A_992 = arith.constant 0 : i32
      %dma_wait3A_993 = tpu.memref_slice %arg9[%dma_wait3A_991, %dma_wait3A_992] : memref<1024x56xf32, #tpu.memory_space<vmem>> -> memref<128x56xf32, #tpu.memory_space<vmem>>
      %dma_wait3A_994 = arith.constant 0 : i32
      %dma_wait3A_995 = tpu.memref_slice %arg8[%dma_wait3A_990, %dma_wait3A_994] : memref<8x128xi32, #tpu.memory_space<vmem>> -> memref<1x128xi32, #tpu.memory_space<vmem>>
      %dma_wait3A_996 = tpu.memref_squeeze %dma_wait3A_995 : memref<1x128xi32, #tpu.memory_space<vmem>> -> memref<128xi32, #tpu.memory_space<vmem>>
      %dma_wait3A_997 = arith.constant 0 : i32
      %dma_wait3A_998 = arith.constant 0 : i32
      %dma_wait3A_999 = tpu.memref_slice %arg2[%dma_wait3A_997, %dma_wait3A_998] : memref<2600026x56xf32, #tpu.memory_space<hbm>> -> memref<2600026x56xf32, #tpu.memory_space<hbm>>
      tpu.wait_indirect_dma semaphore(%arg10 : memref<!tpu.dma_semaphore, #tpu.memory_space<semaphore_mem>>) src(%dma_wait3A_999 : memref<2600026x56xf32, #tpu.memory_space<hbm>>) dst(%dma_wait3A_993 : memref<128x56xf32, #tpu.memory_space<vmem>>)
      "tpu.region"() ({
        %run_scoped3A = tpu.sem_alloc : memref<!tpu.dma_semaphore, #tpu.memory_space<semaphore_mem>>
        %dma_start3A_1000 = arith.constant 0 : i32
        %dma_start3A_1001 = tpu.memref_slice %arg5[%add3A_11, %dma_start3A_1000] : memref<425984x56xf32, #tpu.memory_space<hbm>> -> memref<1024x56xf32, #tpu.memory_space<hbm>>
        %dma_start3A_1002 = arith.constant 0 : i32
        %dma_start3A_1003 = tpu.memref_slice %arg5[%add3A_11, %dma_start3A_1002] : memref<425984x56xf32, #tpu.memory_space<hbm>> -> memref<1024x56xf32, #tpu.memory_space<hbm>>
        tpu.enqueue_dma source(%arg9 : memref<1024x56xf32, #tpu.memory_space<vmem>>) target(%dma_start3A_1003 : memref<1024x56xf32, #tpu.memory_space<hbm>>) target_semaphore(%run_scoped3A : memref<!tpu.dma_semaphore, #tpu.memory_space<semaphore_mem>>)
        %dma_wait3A_1004 = arith.constant 0 : i32
        %dma_wait3A_1005 = tpu.memref_slice %arg5[%add3A_11, %dma_wait3A_1004] : memref<425984x56xf32, #tpu.memory_space<hbm>> -> memref<1024x56xf32, #tpu.memory_space<hbm>>
        %dma_wait3A_1006 = arith.constant 0 : i32
        %dma_wait3A_1007 = tpu.memref_slice %arg5[%add3A_11, %dma_wait3A_1006] : memref<425984x56xf32, #tpu.memory_space<hbm>> -> memref<1024x56xf32, #tpu.memory_space<hbm>>
        tpu.wait_dma2 semaphore(%run_scoped3A : memref<!tpu.dma_semaphore, #tpu.memory_space<semaphore_mem>>) src(%arg9 : memref<1024x56xf32, #tpu.memory_space<vmem>>) dst(%dma_wait3A_1007 : memref<1024x56xf32, #tpu.memory_space<hbm>>)
        tpu.yield
      }) : () -> ()
    }
    %scan3A_7 = arith.constant 13 : i32
    return
  }
}

module attributes {stable_mosaic.version = 14 : i64} {
  func.func @body(%arg0: i32, %arg1: memref<512x1456xf32, #tpu.memory_space<vmem>>, %arg2: memref<1456x300xf32, #tpu.memory_space<vmem>>, %arg3: memref<1x300xf32, #tpu.memory_space<vmem>>, %arg4: memref<300x300xf32, #tpu.memory_space<vmem>>, %arg5: memref<1x300xf32, #tpu.memory_space<vmem>>, %arg6: memref<300x2xf32, #tpu.memory_space<vmem>>, %arg7: memref<1x2xf32, #tpu.memory_space<vmem>>, %arg8: memref<512x2xf32, #tpu.memory_space<vmem>>) attributes {dimension_semantics = [#tpu.dimension_semantics<arbitrary>], iteration_bounds = array<i64: 32>, scalar_prefetch = 0 : i64, scratch_operands = 0 : i64, tpu.core_type = #tpu.core_type<tc>, window_params = [{transform_indices = @transform_0, window_bounds = array<i64: 512, 1456>}, {pipeline_mode = #tpu.pipeline_mode<synchronous>, transform_indices = @transform_1, window_bounds = array<i64: 1456, 300>}, {pipeline_mode = #tpu.pipeline_mode<synchronous>, transform_indices = @transform_2, window_bounds = array<i64: 1, 300>}, {pipeline_mode = #tpu.pipeline_mode<synchronous>, transform_indices = @transform_3, window_bounds = array<i64: 300, 300>}, {pipeline_mode = #tpu.pipeline_mode<synchronous>, transform_indices = @transform_4, window_bounds = array<i64: 1, 300>}, {pipeline_mode = #tpu.pipeline_mode<synchronous>, transform_indices = @transform_5, window_bounds = array<i64: 300, 2>}, {pipeline_mode = #tpu.pipeline_mode<synchronous>, transform_indices = @transform_6, window_bounds = array<i64: 1, 2>}, {transform_indices = @transform_7, window_bounds = array<i64: 512, 2>}]} {
    %get3A = arith.constant 0 : index
    %get3A_0 = arith.constant 0 : index
    %get3A_1 = vector.load %arg1[%get3A, %get3A_0] : memref<512x1456xf32, #tpu.memory_space<vmem>>, vector<512x1456xf32>
    %get3A_2 = arith.constant 0 : index
    %get3A_3 = arith.constant 0 : index
    %get3A_4 = vector.load %arg2[%get3A_2, %get3A_3] : memref<1456x300xf32, #tpu.memory_space<vmem>>, vector<1456x300xf32>
    %dot_general3A = arith.constant dense<0.000000e+00> : vector<512x300xf32>
    %dot_general3A_5 = tpu.matmul %get3A_1, %get3A_4, %dot_general3A {dimension_numbers = #tpu.dot_dimension_numbers<[1], [0], [0], [1], [0, 0, 1, 1], [], []>, transpose_lhs_hint = false} : vector<512x1456xf32>, vector<1456x300xf32>, vector<512x300xf32> -> vector<512x300xf32>
    %get3A_6 = arith.constant 0 : index
    %get3A_7 = arith.constant 0 : index
    %get3A_8 = vector.load %arg3[%get3A_6, %get3A_7] : memref<1x300xf32, #tpu.memory_space<vmem>>, vector<1x300xf32>
    %add3A = vector.broadcast %get3A_8 : vector<1x300xf32> to vector<512x300xf32>
    %add3A_9 = arith.addf %dot_general3A_5, %add3A : vector<512x300xf32>
    %max3A = arith.constant 0.000000e+00 : f32
    %max3A_10 = vector.broadcast %max3A : f32 to vector<512x300xf32>
    %max3A_11 = arith.maximumf %add3A_9, %max3A_10 : vector<512x300xf32>
    %get3A_12 = arith.constant 0 : index
    %get3A_13 = arith.constant 0 : index
    %get3A_14 = vector.load %arg4[%get3A_12, %get3A_13] : memref<300x300xf32, #tpu.memory_space<vmem>>, vector<300x300xf32>
    %dot_general3A_15 = arith.constant dense<0.000000e+00> : vector<512x300xf32>
    %dot_general3A_16 = tpu.matmul %max3A_11, %get3A_14, %dot_general3A_15 {dimension_numbers = #tpu.dot_dimension_numbers<[1], [0], [0], [1], [0, 0, 1, 1], [], []>, transpose_lhs_hint = false} : vector<512x300xf32>, vector<300x300xf32>, vector<512x300xf32> -> vector<512x300xf32>
    %get3A_17 = arith.constant 0 : index
    %get3A_18 = arith.constant 0 : index
    %get3A_19 = vector.load %arg5[%get3A_17, %get3A_18] : memref<1x300xf32, #tpu.memory_space<vmem>>, vector<1x300xf32>
    %add3A_20 = vector.broadcast %get3A_19 : vector<1x300xf32> to vector<512x300xf32>
    %add3A_21 = arith.addf %dot_general3A_16, %add3A_20 : vector<512x300xf32>
    %max3A_22 = arith.constant 0.000000e+00 : f32
    %max3A_23 = vector.broadcast %max3A_22 : f32 to vector<512x300xf32>
    %max3A_24 = arith.maximumf %add3A_21, %max3A_23 : vector<512x300xf32>
    %get3A_25 = arith.constant 0 : index
    %get3A_26 = arith.constant 0 : index
    %get3A_27 = vector.load %arg6[%get3A_25, %get3A_26] : memref<300x2xf32, #tpu.memory_space<vmem>>, vector<300x2xf32>
    %dot_general3A_28 = arith.constant dense<0.000000e+00> : vector<512x2xf32>
    %dot_general3A_29 = tpu.matmul %max3A_24, %get3A_27, %dot_general3A_28 {dimension_numbers = #tpu.dot_dimension_numbers<[1], [0], [0], [1], [0, 0, 1, 1], [], []>, transpose_lhs_hint = false} : vector<512x300xf32>, vector<300x2xf32>, vector<512x2xf32> -> vector<512x2xf32>
    %get3A_30 = arith.constant 0 : index
    %get3A_31 = arith.constant 0 : index
    %get3A_32 = vector.load %arg7[%get3A_30, %get3A_31] : memref<1x2xf32, #tpu.memory_space<vmem>>, vector<1x2xf32>
    %add3A_33 = vector.broadcast %get3A_32 : vector<1x2xf32> to vector<512x2xf32>
    %add3A_34 = arith.addf %dot_general3A_29, %add3A_33 : vector<512x2xf32>
    %reduce_max3A = arith.constant dense<0xFF800000> : vector<512xf32>
    %reduce_max3A_35 = vector.multi_reduction <maximumf>, %add3A_34, %reduce_max3A [1] : vector<512x2xf32> to vector<512xf32>
    %broadcast_in_dim3A = vector.shape_cast %reduce_max3A_35 : vector<512xf32> to vector<512x1xf32>
    %sub3A = vector.broadcast %broadcast_in_dim3A : vector<512x1xf32> to vector<512x2xf32>
    %sub3A_36 = arith.subf %add3A_34, %sub3A : vector<512x2xf32>
    %exp3A = math.exp %sub3A_36 : vector<512x2xf32>
    %reduce_sum3A = arith.constant dense<0.000000e+00> : vector<512xf32>
    %reduce_sum3A_37 = vector.multi_reduction <add>, %exp3A, %reduce_sum3A [1] : vector<512x2xf32> to vector<512xf32>
    %broadcast_in_dim3A_38 = vector.shape_cast %reduce_sum3A_37 : vector<512xf32> to vector<512x1xf32>
    %div3A = vector.broadcast %broadcast_in_dim3A_38 : vector<512x1xf32> to vector<512x2xf32>
    %div3A_39 = arith.divf %exp3A, %div3A : vector<512x2xf32>
    %swap3A = arith.constant 0 : index
    %swap3A_40 = arith.constant 0 : index
    %swap3A_41 = vector.load %arg8[%swap3A, %swap3A_40] : memref<512x2xf32, #tpu.memory_space<vmem>>, vector<512x2xf32>
    tpu.vector_store %arg8[%swap3A, %swap3A_40], %div3A_39 {strides = array<i32>} : memref<512x2xf32, #tpu.memory_space<vmem>>, vector<512x2xf32>,
    return
  }
  func.func @transform_0(%arg0: i32) -> (i32, i32) {
    %c0_i32 = arith.constant 0 : i32
    %c0_i32_0 = arith.constant 0 : i32
    return %arg0, %c0_i32 : i32, i32
  }
  func.func @transform_1(%arg0: i32) -> (i32, i32) {
    %c0_i32 = arith.constant 0 : i32
    %c0_i32_0 = arith.constant 0 : i32
    %c0_i32_1 = arith.constant 0 : i32
    return %c0_i32, %c0_i32_0 : i32, i32
  }
  func.func @transform_2(%arg0: i32) -> (i32, i32) {
    %c0_i32 = arith.constant 0 : i32
    %c0_i32_0 = arith.constant 0 : i32
    %c0_i32_1 = arith.constant 0 : i32
    return %c0_i32, %c0_i32_0 : i32, i32
  }
  func.func @transform_3(%arg0: i32) -> (i32, i32) {
    %c0_i32 = arith.constant 0 : i32
    %c0_i32_0 = arith.constant 0 : i32
    %c0_i32_1 = arith.constant 0 : i32
    return %c0_i32, %c0_i32_0 : i32, i32
  }
  func.func @transform_4(%arg0: i32) -> (i32, i32) {
    %c0_i32 = arith.constant 0 : i32
    %c0_i32_0 = arith.constant 0 : i32
    %c0_i32_1 = arith.constant 0 : i32
    return %c0_i32, %c0_i32_0 : i32, i32
  }
  func.func @transform_5(%arg0: i32) -> (i32, i32) {
    %c0_i32 = arith.constant 0 : i32
    %c0_i32_0 = arith.constant 0 : i32
    %c0_i32_1 = arith.constant 0 : i32
    return %c0_i32, %c0_i32_0 : i32, i32
  }
  func.func @transform_6(%arg0: i32) -> (i32, i32) {
    %c0_i32 = arith.constant 0 : i32
    %c0_i32_0 = arith.constant 0 : i32
    %c0_i32_1 = arith.constant 0 : i32
    return %c0_i32, %c0_i32_0 : i32, i32
  }
  func.func @transform_7(%arg0: i32) -> (i32, i32) {
    %c0_i32 = arith.constant 0 : i32
    %c0_i32_0 = arith.constant 0 : i32
    return %arg0, %c0_i32 : i32, i32
  }
}

</mosaic_0001>

<sc_bundles>
// kernel: kernel.4.cloned.1.call-start
scs
__scs_entry_jumppad:
0x0: {  	(pc) =	sbr.rel $0x88, $3  }
0x1: {  	(tag) =	ssettag $0x0;
	lr =	simm.s32 $0x1  }
0x2: {  	[smem:$0x3F93] =	sst lr;
	_ =	strace $0xD0000000  }
0x3: {  	_ = 	snop  }
0x4: {  	_ = 	snop  }
0x5: {  	_ = 	snop  }
0x6: {  	_ = 	snop  }
0x7: {  	_ = 	snop  }
__scs_overlays_trampoline_lowered:
0x8: {  	[smem:$0x3FA2] =	sst s0  }
0x9: {  	[smem:$0x3FA3] =	sst s1  }
0xa: {  	[smem:$0x3FA4] =	sst s2  }
0xb: {  	[smem:$0x3FA5] =	sst s3  }
0xc: {  	[smem:$0x3FA6] =	sst s4  }
0xd: {  	[smem:$0x3FA7] =	sst s5  }
0xe: {  	[smem:$0x3FA8] =	sst s6  }
0xf: {  	[smem:$0x3FA9] =	sst s7  }
0x10: {  	[smem:$0x3FAA] =	sst s8  }
0x11: {  	[smem:$0x3FAB] =	sst s9;
	s0 =	simm.s32 @!p0 $0x0  }
0x12: {  	s1 =	sld [smem:$0x3F91];
	s0 =	simm.s32 @p0 $0x1  }
0x13: {  	[smem:$0x3FAC] =	sst s0;
	s0 =	simm.s32 @!p1 $0x0  }
0x14: {  	s2 =	sld [smem:$0x3F90];
	s0 =	simm.s32 @p1 $0x1  }
0x15: {  	[smem:$0x3FAD] =	sst s0;
	s0 =	simm.s32 @!p2 $0x0  }
0x16: {  	s3 =	sld [smem:$0x3FDB];
	s0 =	simm.s32 @p2 $0x1  }
0x17: {  	s4 =	simm.s32 $0x1BF5;
	[smem:$0x3FAF] =	sst s0  }
0x18: {  	s0 =	sld [smem:$0x3F92];
	_ =	swait.ge [sflag:s4], $0x0  }
0x19: {  	s7 =	sld [smem:$0x3F93]  }
0x1a: {  	s8 =	sadd.s32 $0xFFFFE003, lr  }
0x1b: {  	s9 =	sadd.s32 $0xFFFFFEF7, lr;
	s5 =	simm.s32 $0xFFFFFFFF;
	p2 =	slt.u32 s8, $0xFFFFF086  }
0x1c: {  	p1 =	slt.u32 s9, $0xF7A;
	s5 =	simm.s32 @!p2 $0x0  }
0x1d: {  	s5 =	simm.s32 @p1 $0x1;
	p0 =	seq.s32 s7, s2  }
0x1e: {  	s7 =	smul.u32 @!p0 $0xF7A, s2;
	p2 =	seq.s32 @!p0 s5, $0x0  }
0x1f: {  	s9 =	smul.u32 $0xF7A, s1;
	s8 =	simm.s32 @!p0 $0x1BF5;
	p2 =	por !p2, p0  }
0x20: {  	[sflag:s8] =	ssyncset.s32 @!p0 $0xFFFFF086;
	s6 =	sadd.s32 @!p0 s3, s7;
	s7 =	simm.s32 @!p0 $0x108  }
0x21: {  	s3 =	sadd.s32 s3, s9;
	s6 =	sadd.s32 @!p0 $0x88, s6;
	s7 =	simm.s32 @p2 $0x1082  }
0x22: {  	[simem:s7], [sflag:s8] =	dma.local @!p0 [hbm:s6], $0xF7A  }
0x23: {  	s9 =	sor.u32 $0xD0000000, s2;
	s6 =	simm.s32 $0x108;
	_ =	swait.ge @!p0 [sflag:s8], $0x0  }
0x24: {  	s3 =	sadd.s32 $0x88, s3;
	s6 =	simm.s32 @!p1 $0x1082;
	[sflag:s4] =	ssyncset.s32 $0xFFFFF086  }
0x25: {  	[simem:s6], [sflag:s4] =	dma.local [hbm:s3], $0xF7A  }
0x26: {  	[smem:$0x3F93] =	sst s1;
	(tag) =	ssettag s2;
	_ =	strace s9  }
0x27: {  	s1 =	sld [smem:$0x3FA3]  }
0x28: {  	s2 =	sld [smem:$0x3FA4]  }
0x29: {  	s4 =	sld [smem:$0x3FA6]  }
0x2a: {  	p0 =	seq.s32 s5, $0x0;
	s5 =	sld [smem:$0x3FA7]  }
0x2b: {  	s6 =	sld [smem:$0x3FA8]  }
0x2c: {  	s7 =	sld [smem:$0x3FA9]  }
0x2d: {  	s3 =	simm.s32 $0x108;
	s8 =	sld [smem:$0x3FAA]  }
0x2e: {  	s3 =	simm.s32 @!p0 $0x1082;
	s9 =	sld [smem:$0x3FAB]  }
0x2f: {  	lr =	sadd.s32 s0, s3;
	s0 =	sld [smem:$0x3FA2]  }
0x30: {  	s3 =	sld [smem:$0x3FA5]  }
0x31: {  	[smem:$0x3FAE] =	sst s10  }
0x32: {  	s10 =	sld [smem:$0x3FAC];
	_ =	sdelay $0x3  }
0x33: {  	p0 =	seq.s32 s10, $0x1;
	s10 =	sld [smem:$0x3FAE];
	_ =	sdelay $0x3  }
0x34: {  	[smem:$0x3FAE] =	sst s10  }
0x35: {  	s10 =	sld [smem:$0x3FAD];
	_ =	sdelay $0x3  }
0x36: {  	p1 =	seq.s32 s10, $0x1;
	s10 =	sld [smem:$0x3FAE];
	_ =	sdelay $0x3  }
0x37: {  	[smem:$0x3FAE] =	sst s10  }
0x38: {  	s10 =	sld [smem:$0x3FAF]  }
0x39: {  	_ = 	snop;
	(pc) =	sbr.ind lr, $3  }
0x3a: {  	_ = 	snop  }
0x3b: {  	_ = 	snop  }
0x3c: {  	p2 =	seq.s32 s10, $0x1;
	s10 =	sld [smem:$0x3FAE]  }
0x3d: {  	_ =	shalt  }
0x3e: {  	_ =	shalt  }
0x3f: {  	_ =	shalt  }
0x40: {  	_ =	shalt  }
0x41: {  	_ =	shalt  }
0x42: {  	_ =	shalt  }
0x43: {  	_ =	shalt  }
0x44: {  	_ =	shalt  }
0x45: {  	_ =	shalt  }
0x46: {  	_ =	shalt  }
0x47: {  	_ =	shalt  }
0x48: {  	_ =	shalt  }
0x49: {  	_ =	shalt  }
0x4a: {  	_ =	shalt  }
0x4b: {  	_ =	shalt  }
0x4c: {  	_ =	shalt  }
0x4d: {  	_ =	shalt  }
0x4e: {  	_ =	shalt  }
0x4f: {  	_ =	shalt  }
0x50: {  	_ =	shalt  }
0x51: {  	_ =	shalt  }
0x52: {  	_ =	shalt  }
0x53: {  	_ =	shalt  }
0x54: {  	_ =	shalt  }
0x55: {  	_ =	shalt  }
0x56: {  	_ =	shalt  }
0x57: {  	_ =	shalt  }
0x58: {  	_ =	shalt  }
0x59: {  	_ =	shalt  }
0x5a: {  	_ =	shalt  }
0x5b: {  	_ =	shalt  }
0x5c: {  	_ =	shalt  }
0x5d: {  	_ =	shalt  }
0x5e: {  	_ =	shalt  }
0x5f: {  	_ =	shalt  }
0x60: {  	_ =	shalt  }
0x61: {  	_ =	shalt  }
0x62: {  	_ =	shalt  }
0x63: {  	_ =	shalt  }
0x64: {  	_ =	shalt  }
0x65: {  	_ =	shalt  }
0x66: {  	_ =	shalt  }
0x67: {  	_ =	shalt  }
0x68: {  	_ =	shalt  }
0x69: {  	_ =	shalt  }
0x6a: {  	_ =	shalt  }
0x6b: {  	_ =	shalt  }
0x6c: {  	_ =	shalt  }
0x6d: {  	_ =	shalt  }
0x6e: {  	_ =	shalt  }
0x6f: {  	_ =	shalt  }
0x70: {  	_ =	shalt  }
0x71: {  	_ =	shalt  }
0x72: {  	_ =	shalt  }
0x73: {  	_ =	shalt  }
0x74: {  	_ =	shalt  }
0x75: {  	_ =	shalt  }
0x76: {  	_ =	shalt  }
0x77: {  	_ =	shalt  }
0x78: {  	_ =	shalt  }
0x79: {  	_ =	shalt  }
0x7a: {  	_ =	shalt  }
0x7b: {  	_ =	shalt  }
0x7c: {  	_ =	shalt  }
0x7d: {  	_ =	shalt  }
0x7e: {  	_ =	shalt  }
0x7f: {  	_ =	shalt  }
0x80: {  	_ =	shalt  }
0x81: {  	_ =	shalt  }
0x82: {  	_ =	shalt  }
0x83: {  	_ =	shalt  }
0x84: {  	_ =	shalt  }
0x85: {  	_ =	shalt  }
0x86: {  	_ =	shalt  }
0x87: {  	_ =	shalt  }
.Lfunc_end0:
.L_simem_size_0:
called_computation.1_lowered:
.L_overlay_start_0:
0x88: {  	s2 =	sld [smem:$0x3FD9]  }
0x89: {  	s3 =	sld [smem:$0x3FFE];
	_ =	sdelay $0x1  }
0x8a: {  	s1 =	srdreg.scid  }
0x8b: {  	s0 =	sand.u32 $0x1, s1  }
0x8c: {  	s16 =	sshll.u32 s0, $0xA;
	s2 =	sadd.s32 s3, s2  }
0x8d: {  	s2 =	sadd.s32 s2, s16  }
0x8e: {  	[smem:$0x3FBA] =	sst s2  }
0x8f: {  	_ = 	snop  }
0x90: {  	(tm) =	ssettm $0x1  }
0x91: {  	s17 =	sld [smem:$0x3FFB];
	_ =	sdelay $0x3  }
0x92: {  	_ =	strace s17  }
0x93: {  	s2 =	sld [smem:$0x3FFC];
	_ =	sdelay $0x3  }
0x94: {  	_ =	strace s2  }
0x95: {  	s2 =	sld [smem:$0x3FFD];
	_ =	sdelay $0x3  }
0x96: {  	_ =	strace s2  }
0x97: {  	_ =	strace $0x8FFFFFFF  }
0x98: {  	s18 =	sld [smem:$0x3FDB];
	_ =	sdelay $0x1  }
0x99: {  	s19 =	simm.s32 $_scs_section_size  }
0x9a: {  	s4 =	simm.s32 $_size__tile_overlayer_lowered;
	s5 =	simm.s32 $_tile_overlayer_lowered  }
0x9b: {  	s22 =	simm.s32 $0x1BFF;
	s21 =	sshll.u32 s5, $0x1;
	s2 =	sadd.s32 s19, s18  }
0x9c: {  	s6 =	simm.s32 $0x0;
	s20 =	sshll.u32 s4, $0x1;
	s4 =	sadd.s32 s21, s2  }
0x9d: {  	[timem:s6], [sflag:s22] =	dma.local [hbm:s4], s20  }
0x9e: {  	_ =	swait.ge [sflag:s22], s20  }
0x9f: {  	s3 =	ssub.s32 $0x0, s20;
	[sflag:s22] =	ssyncset.done $0x0  }
0xa0: {  	[sflag:s22] =	ssyncadd.s32 s3;
	_ =	sdelay $0x1  }
0xa1: {  	s23 =	simm.s32 $0x1B8B  }
0xa2: {  	_ =	swait.ge [sflag:s23], $0x1  }
0xa3: {  	[sflag:s23] =	ssyncset.done $0x0  }
0xa4: {  	s25 =	simm.s32 $0x1B8E;
	s24 =	sld [smem:$0x3FFE];
	[sflag:s23] =	ssyncadd.s32 $0xFFFFFFFF  }
0xa5: {  	s26 =	simm.s32 $execute0_lowered;
	[smem:$0x3FD2] =	sst s25  }
0xa6: {  	s4 =	sshll.u32 s26, $0x1;
	_ =	strace $0x80000049;
	[dreg:$0x1] =	wrdreg $0xFFFFFFFF  }
0xa7: {  	s28 =	simm.s32 $_size_execute0_lowered;
	s2 =	sadd.s32 s2, s4;
	[dreg:$0x0] =	wrdreg $0x0  }
0xa8: {  	s4 =	sshll.u32 s28, $0x1;
	[dreg:$0x2] =	wrdreg s2  }
0xa9: {  	[dreg:$0x3] =	wrdreg s4  }
0xaa: {  	[dreg:$0x4] =	wrdreg $0xC0  }
0xab: {  	_ =	task [dreg:s6], $0x5FFFF  }
0xac: {  	[dreg:$0x1] =	wrdreg $0xFFFFFFFF  }
0xad: {  	[dreg:$0x0] =	wrdreg $0x60  }
0xae: {  	[dreg:$0x2] =	wrdreg s24  }
0xaf: {  	[dreg:$0x3] =	wrdreg $0x9  }
0xb0: {  	_ =	task.clear_ibuf [dreg:s6], $0x4FFFF;
	_ =	strace $0x90000049  }
0xb1: {  	s29 =	simm.s32 $0x9;
	_ =	strace $0x8000004B  }
0xb2: {  	_ =	swait.ge [sflag:s29], $0x1  }
0xb3: {  	[sflag:s29] =	ssyncadd.s32 $0xFFFFFFFF  }
0xb4: {  	_ =	strace $0x9000004B  }
0xb5: {  	_ =	sfence  }
0xb6: {  	s30 =	sld [smem:$0x0];
	_ =	sdelay $0x2  }
0xb7: {  	s31 =	sshll.u32 s1, $0xD;
	s1 =	sshrl.u32 s1, $0x2  }
0xb8: {  	s3 =	sand.u32 $0x4000, s31;
	s1 =	sadd.s32 s1, s30  }
0xb9: {  	s0 =	sor.u32 s3, s0;
	s1 =	sshll.u32 s1, $0x11  }
0xba: {  	s0 =	sor.u32 s1, s0  }
0xbb: {  	s0 =	sadd.s32 $0x8F2B, s0  }
0xbc: {  	[sflag:s0] =	ssyncadd.remote.s32 $0x1  }
0xbd: {  	_ =	sfence.sel $0xFFFF  }
0xbe: {  	[dreg:$0x0] =	wrdreg $0xFFFFFFFF;
	(pc) =	sbr.abs _section_cstart, $3  }
0xbf: {  	[dreg:$0x1] =	wrdreg $0xFFFFFFFF  }
0xc0: {  	_ =	task.clear_ibuf [dreg:s6], $0x2FFFF;
	_ =	strace $0x9FFFFFFF  }
0xc1: {  	(tm) =	ssettm $0x7FFFFFFF  }
tec
execute0_lowered:
.L_overlay_start_1:
0x0: {  	(tag) =	ssettag $0x1  }
0x1: {  	s4 =	rddreg [dreg:$0x0]  }
0x2: {  	s3 =	srdreg.scid;
	s1 =	stileid.u32  }
0x3: {  	s2 =	simm.s32 $0x0;
	s10 =	simm.s32 $0x80;
	s11 =	simm.s32 $0x800  }
0x4: {  	s12 =	simm.s32 $0xC00;
	s13 =	simm.s32 $0x880;
	s14 =	simm.s32 $0x2800  }
0x5: {  	s15 =	simm.s32 $0x900;
	s16 =	simm.s32 $0x4400;
	s17 =	simm.s32 $0x980  }
0x6: {  	s18 =	simm.s32 $0x6000;
	s19 =	simm.s32 $0xA00;
	s20 =	simm.s32 $0x7C00  }
0x7: {  	s21 =	simm.s32 $0xA80;
	s22 =	simm.s32 $0x9800;
	s23 =	simm.s32 $0xB00  }
0x8: {  	s24 =	simm.s32 $0xB400;
	s25 =	simm.s32 $0xB80;
	s6 =	smul.u32 $0x6800, s1  }
0x9: {  	s28 =	simm.s32 $0x1;
	s5 =	sand.u32 $0x1, s3;
	s8 =	smul.u32 $0x2D800, s1  }
0xa: {  	s29 =	simm.s32 $0x0;
	[smem:$0x7FF] =	sst s2;
	s7 =	smul.u32 $0x3400, s5  }
0xb: {  	s3 =	sadd.s32 $0x27C8A00, s4;
	s9 =	smul.u32 $0x16C00, s5;
	s5 =	ssub.s32 $0x2, s5  }
0xc: {  	_ =	strace $0x8000004A;
	s26 =	sadd.s32 s8, s4;
	s30 =	sshrl.u32 s5, $0x1  }
0xd: {  	s8 =	simm.s32 $0x2;
	s6 =	sadd.s32 s7, s6;
	s7 =	sadd.s32 s9, s26  }
0xe: {  	s5 =	ssub.s32 s5, s30;
	s9 =	simm.s32 $0x400;
	s6 =	sshrl.u32 s6, $0x3  }
0xf: {  	s26 =	simm.s32 $0xD000;
	s31 =	sadd.s32 s6, s4;
	s4 =	sadd.s32 $0x1800, s7  }
0x10: {  	s5 =	smax.u32 s5, $0x1;
	s6 =	sadd.s32 $0x27AEA00, s31;
	s7 =	sadd.s32 $0x27BBA00, s31  }
.LBB2_1:
0x11: {  	s30 =	smov.u32 s4;
	s31 =	simm.s32 $0x0  }
.LBB2_2:
0x12: {  	s0 =	sadd.s32 s31, s7  }
0x13: {  	[tilespmem:s2], [sflag:$0x2] =	stream.linear.gather [hbm4b:s0+s2], $0x400, $0x38;
	[tilespmem:$0xEC00] =	vst v63  }
0x14: {  	_ =	swait.ge [sflag:s8], $0x400  }
0x15: {  	[sflag:s8] =	ssyncset.done $0x0  }
0x16: {  	s0 =	sadd.s32 s31, s6;
	[sflag:s8] =	ssyncadd.s32 $0xFFFFFC00  }
0x17: {  	[tilespmem:s9], [sflag:$0x2] =	stream.linear.gather [hbm4b:s0+s2], $0x400, $0x38;
	[tilespmem:$0xEC00] =	vst v63  }
0x18: {  	_ =	swait.ge [sflag:s8], $0x400  }
0x19: {  	[sflag:s8] =	ssyncset.done $0x0  }
0x1a: {  	[sflag:s8] =	ssyncadd.s32 $0xFFFFFC00  }
0x1b: {  	v0 =	vld [tilespmem:$0x0]  }
0x1c: {  	v1 =	vld [tilespmem:$0x400]  }
0x1d: {  	v2 =	vld [tilespmem:$0x10]  }
0x1e: {  	v3 =	vld [tilespmem:$0x410]  }
0x1f: {  	v4 =	vld [tilespmem:$0x20]  }
0x20: {  	v5 =	vld [tilespmem:$0x420]  }
0x21: {  	v6 =	vld [tilespmem:$0x30]  }
0x22: {  	v7 =	vld [tilespmem:$0x430]  }
0x23: {  	v8 =	vld [tilespmem:$0x40]  }
0x24: {  	v9 =	vld [tilespmem:$0x440]  }
0x25: {  	v10 =	vld [tilespmem:$0x50]  }
0x26: {  	v11 =	vld [tilespmem:$0x450]  }
0x27: {  	v12 =	vld [tilespmem:$0x60]  }
0x28: {  	v13 =	vld [tilespmem:$0x460]  }
0x29: {  	v14 =	vld [tilespmem:$0x70]  }
0x2a: {  	v15 =	vld [tilespmem:$0x470]  }
0x2b: {  	v16 =	vld [tilespmem:$0x80]  }
0x2c: {  	v17 =	vld [tilespmem:$0x480]  }
0x2d: {  	v18 =	vld [tilespmem:$0x90]  }
0x2e: {  	v19 =	vld [tilespmem:$0x490]  }
0x2f: {  	v20 =	vld [tilespmem:$0xA0]  }
0x30: {  	v21 =	vld [tilespmem:$0x4A0]  }
0x31: {  	v22 =	vld [tilespmem:$0xB0]  }
0x32: {  	v23 =	vld [tilespmem:$0x4B0]  }
0x33: {  	v24 =	vld [tilespmem:$0xC0]  }
0x34: {  	v25 =	vld [tilespmem:$0x4C0]  }
0x35: {  	v26 =	vld [tilespmem:$0xD0]  }
0x36: {  	v27 =	vld [tilespmem:$0x4D0]  }
0x37: {  	v28 =	vld [tilespmem:$0xE0]  }
0x38: {  	v29 =	vld [tilespmem:$0x4E0]  }
0x39: {  	v30 =	vld [tilespmem:$0xF0]  }
0x3a: {  	v31 =	vld [tilespmem:$0x4F0]  }
0x3b: {  	v32 =	vld [tilespmem:$0x100]  }
0x3c: {  	v33 =	vld [tilespmem:$0x500]  }
0x3d: {  	v34 =	vld [tilespmem:$0x110]  }
0x3e: {  	v35 =	vld [tilespmem:$0x510]  }
0x3f: {  	v36 =	vld [tilespmem:$0x120]  }
0x40: {  	v37 =	vld [tilespmem:$0x520]  }
0x41: {  	v38 =	vld [tilespmem:$0x130]  }
0x42: {  	v39 =	vld [tilespmem:$0x530]  }
0x43: {  	v40 =	vld [tilespmem:$0x140]  }
0x44: {  	v41 =	vld [tilespmem:$0x540]  }
0x45: {  	v42 =	vld [tilespmem:$0x150]  }
0x46: {  	v43 =	vld [tilespmem:$0x550]  }
0x47: {  	v44 =	vld [tilespmem:$0x160]  }
0x48: {  	v45 =	vld [tilespmem:$0x560]  }
0x49: {  	v46 =	vld [tilespmem:$0x170]  }
0x4a: {  	v47 =	vld [tilespmem:$0x570]  }
0x4b: {  	v48 =	vld [tilespmem:$0x180]  }
0x4c: {  	v49 =	vld [tilespmem:$0x580]  }
0x4d: {  	v50 =	vld [tilespmem:$0x190]  }
0x4e: {  	v51 =	vld [tilespmem:$0x590]  }
0x4f: {  	v52 =	vld [tilespmem:$0x1A0]  }
0x50: {  	v53 =	vld [tilespmem:$0x5A0]  }
0x51: {  	v54 =	vld [tilespmem:$0x1B0]  }
0x52: {  	v55 =	vld [tilespmem:$0x5B0]  }
0x53: {  	v56 =	vld [tilespmem:$0x1C0]  }
0x54: {  	v57 =	vld [tilespmem:$0x5C0]  }
0x55: {  	v58 =	vld [tilespmem:$0x1D0]  }
0x56: {  	v62 =	vld [tilespmem:$0x1F0]  }
0x57: {  	v59 =	vld [tilespmem:$0x5D0]  }
0x58: {  	v60 =	vld [tilespmem:$0x1E0]  }
0x59: {  	v61 =	vld [tilespmem:$0x5E0]  }
0x5a: {  	v63 =	vld [tilespmem:$0x5F0]  }
0x5b: {  	[tilespmem:$0x1FFA0] =	vst v62;
	v62 =	vld [tilespmem:$0x200]  }
0x5c: {  	v0 =	vadd.s32 v0, v1;
	v1 =	vld [tilespmem:$0x620]  }
0x5d: {  	v9 =	vadd.s32 v8, v9;
	v8 =	vld [tilespmem:$0x260]  }
0x5e: {  	v11 =	vadd.s32 v10, v11;
	v10 =	vld [tilespmem:$0x270]  }
0x5f: {  	v13 =	vadd.s32 v12, v13;
	v12 =	vld [tilespmem:$0x280]  }
0x60: {  	v15 =	vadd.s32 v14, v15;
	v14 =	vld [tilespmem:$0x290]  }
0x61: {  	v17 =	vadd.s32 v16, v17;
	v16 =	vld [tilespmem:$0x2A0]  }
0x62: {  	v19 =	vadd.s32 v18, v19;
	v18 =	vld [tilespmem:$0x2B0];
	[tilespmem:$0x800] =	vst v0  }
0x63: {  	v21 =	vadd.s32 v20, v21;
	v20 =	vld [tilespmem:$0x2C0];
	[tilespmem:$0x840] =	vst v9  }
0x64: {  	v23 =	vadd.s32 v22, v23;
	v22 =	vld [tilespmem:$0x2D0];
	[tilespmem:$0x850] =	vst v11  }
0x65: {  	v25 =	vadd.s32 v24, v25;
	v24 =	vld [tilespmem:$0x2E0];
	[tilespmem:$0x860] =	vst v13  }
0x66: {  	v29 =	vadd.s32 v28, v29;
	v28 =	vadd.s32 v42, v43;
	v43 =	vld [tilespmem:$0x330];
	[tilespmem:$0x870] =	vst v15  }
0x67: {  	v31 =	vadd.s32 v30, v31;
	v30 =	vadd.s32 v46, v47;
	v47 =	vld [tilespmem:$0x340];
	[tilespmem:$0x880] =	vst v17  }
0x68: {  	v33 =	vadd.s32 v32, v33;
	v32 =	vadd.s32 v50, v51;
	v51 =	vld [tilespmem:$0x350];
	[tilespmem:$0x890] =	vst v19  }
0x69: {  	v35 =	vadd.s32 v34, v35;
	v34 =	vadd.s32 v54, v55;
	v55 =	vld [tilespmem:$0x360];
	[tilespmem:$0x8A0] =	vst v21  }
0x6a: {  	v37 =	vadd.s32 v36, v37;
	v36 =	vadd.s32 v58, v59;
	v59 =	vld [tilespmem:$0x370];
	[tilespmem:$0x8B0] =	vst v23  }
0x6b: {  	v27 =	vadd.s32 v26, v27;
	v9 =	vld [tilespmem:$0x660];
	[tilespmem:$0x8C0] =	vst v25  }
0x6c: {  	v11 =	vld [tilespmem:$0x670];
	[tilespmem:$0x8D0] =	vst v27  }
0x6d: {  	v13 =	vld [tilespmem:$0x680];
	[tilespmem:$0x8E0] =	vst v29  }
0x6e: {  	v15 =	vld [tilespmem:$0x690];
	[tilespmem:$0x8F0] =	vst v31  }
0x6f: {  	v17 =	vld [tilespmem:$0x6A0];
	[tilespmem:$0x900] =	vst v33  }
0x70: {  	[tilespmem:$0x910] =	vst v35;
	v21 =	vld [tilespmem:$0x6C0]  }
0x71: {  	v26 =	vadd.s32 v38, v39;
	[tilespmem:$0x920] =	vst v37;
	v23 =	vld [tilespmem:$0x6D0]  }
0x72: {  	[tilespmem:$0x930] =	vst v26;
	v25 =	vld [tilespmem:$0x6E0]  }
0x73: {  	[tilespmem:$0x950] =	vst v28;
	v26 =	vld [tilespmem:$0x2F0]  }
0x74: {  	[tilespmem:$0x970] =	vst v30;
	v28 =	vld [tilespmem:$0x300]  }
0x75: {  	[tilespmem:$0x990] =	vst v32;
	v30 =	vld [tilespmem:$0x310]  }
0x76: {  	[tilespmem:$0x9B0] =	vst v34;
	v38 =	vld [tilespmem:$0x1FFA0]  }
0x77: {  	v27 =	vadd.s32 v40, v41;
	[tilespmem:$0x9D0] =	vst v36;
	v32 =	vld [tilespmem:$0x320]  }
0x78: {  	v29 =	vadd.s32 v44, v45;
	v45 =	vld [tilespmem:$0x730];
	[tilespmem:$0x940] =	vst v27  }
0x79: {  	v31 =	vadd.s32 v48, v49;
	v49 =	vld [tilespmem:$0x740];
	[tilespmem:$0x960] =	vst v29  }
0x7a: {  	v33 =	vadd.s32 v52, v53;
	v53 =	vld [tilespmem:$0x750];
	[tilespmem:$0x980] =	vst v31  }
0x7b: {  	v35 =	vadd.s32 v56, v57;
	v57 =	vld [tilespmem:$0x760];
	[tilespmem:$0x9A0] =	vst v33  }
0x7c: {  	v37 =	vadd.s32 v60, v61;
	v61 =	vld [tilespmem:$0x770];
	[tilespmem:$0x9C0] =	vst v35  }
0x7d: {  	v36 =	vld [tilespmem:$0x3A0];
	[tilespmem:$0x9E0] =	vst v37  }
0x7e: {  	v27 =	vld [tilespmem:$0x6F0];
	[tilespmem:$0x1FFB0] =	vst v62;
	v0 =	vadd.s32 v38, v63  }
0x7f: {  	v29 =	vld [tilespmem:$0x700];
	v52 =	vadd.s32 v8, v9;
	[tilespmem:$0x9F0] =	vst v0  }
0x80: {  	v62 =	vld [tilespmem:$0x600];
	v54 =	vadd.s32 v10, v11;
	[tilespmem:$0xA60] =	vst v52  }
0x81: {  	v31 =	vld [tilespmem:$0x710];
	v56 =	vadd.s32 v12, v13;
	[tilespmem:$0xA70] =	vst v54  }
0x82: {  	v33 =	vld [tilespmem:$0x720];
	v58 =	vadd.s32 v14, v15;
	[tilespmem:$0xA80] =	vst v56  }
0x83: {  	v39 =	vld [tilespmem:$0x1FFB0];
	v60 =	vadd.s32 v16, v17;
	[tilespmem:$0xA90] =	vst v58  }
0x84: {  	v63 =	vld [tilespmem:$0x380];
	[tilespmem:$0xAA0] =	vst v60  }
0x85: {  	v20 =	vadd.s32 v20, v21;
	[tilespmem:$0x1FFC0] =	vst v62;
	v62 =	vld [tilespmem:$0x210]  }
0x86: {  	v21 =	vld [tilespmem:$0x780];
	v22 =	vadd.s32 v22, v23;
	[tilespmem:$0xAC0] =	vst v20  }
0x87: {  	v23 =	vld [tilespmem:$0x390];
	v24 =	vadd.s32 v24, v25;
	[tilespmem:$0xAD0] =	vst v22  }
0x88: {  	v25 =	vld [tilespmem:$0x790];
	v43 =	vadd.s32 v43, v45;
	[tilespmem:$0xAE0] =	vst v24  }
0x89: {  	v38 =	vld [tilespmem:$0x7A0];
	[tilespmem:$0xB30] =	vst v43  }
0x8a: {  	v45 =	vadd.s32 v47, v49;
	[tilespmem:$0x1FFD0] =	vst v62;
	v62 =	vld [tilespmem:$0x610]  }
0x8b: {  	v47 =	vadd.s32 v51, v53;
	[tilespmem:$0xB40] =	vst v45;
	v52 =	vld [tilespmem:$0x3E0]  }
0x8c: {  	v49 =	vadd.s32 v55, v57;
	[tilespmem:$0xB50] =	vst v47;
	v54 =	vld [tilespmem:$0x7E0]  }
0x8d: {  	v51 =	vadd.s32 v59, v61;
	[tilespmem:$0xB60] =	vst v49;
	v40 =	vld [tilespmem:$0x1FFC0]  }
0x8e: {  	[tilespmem:$0xB70] =	vst v51;
	v56 =	vld [tilespmem:$0x3F0]  }
0x8f: {  	v35 =	vadd.s32 v26, v27;
	[tilespmem:$0x1FFE0] =	vst v62;
	v62 =	vld [tilespmem:$0x220]  }
0x90: {  	v37 =	vadd.s32 v28, v29;
	v58 =	vld [tilespmem:$0x7F0];
	[tilespmem:$0xAF0] =	vst v35  }
0x91: {  	[tilespmem:$0xB00] =	vst v37;
	v53 =	vadd.s32 v63, v21;
	v41 =	vld [tilespmem:$0x1FFD0]  }
0x92: {  	v55 =	vadd.s32 v23, v25;
	[tilespmem:$0xB80] =	vst v53;
	v0 =	vadd.s32 v39, v40;
	v40 =	vld [tilespmem:$0x3B0]  }
0x93: {  	[tilespmem:$0xB90] =	vst v55;
	v42 =	vld [tilespmem:$0x1FFE0]  }
0x94: {  	v57 =	vadd.s32 v36, v38;
	[tilespmem:$0x1FFF0] =	vst v62;
	v62 =	vadd.s32 v2, v3;
	v2 =	vld [tilespmem:$0x230]  }
0x95: {  	[tilespmem:$0xBA0] =	vst v57;
	v3 =	vld [tilespmem:$0x630]  }
0x96: {  	v63 =	vadd.s32 v56, v58;
	[tilespmem:$0x810] =	vst v62;
	v62 =	vadd.s32 v4, v5;
	v4 =	vld [tilespmem:$0x240]  }
0x97: {  	[tilespmem:$0xBF0] =	vst v63;
	v5 =	vld [tilespmem:$0x640]  }
0x98: {  	[tilespmem:$0xA00] =	vst v0;
	v44 =	vld [tilespmem:$0x1FFF0]  }
0x99: {  	v39 =	vadd.s32 v30, v31;
	[tilespmem:$0x820] =	vst v62;
	v62 =	vadd.s32 v6, v7;
	v6 =	vld [tilespmem:$0x250]  }
0x9a: {  	[tilespmem:$0xB10] =	vst v39;
	v0 =	vadd.s32 v41, v42;
	v7 =	vld [tilespmem:$0x650]  }
0x9b: {  	v42 =	vld [tilespmem:$0x7B0];
	[tilespmem:$0xA10] =	vst v0  }
0x9c: {  	v41 =	vadd.s32 v32, v33;
	[tilespmem:$0x830] =	vst v62;
	v62 =	vld [tilespmem:$0x6B0]  }
0x9d: {  	[tilespmem:$0xB20] =	vst v41;
	v46 =	vadd.s32 v2, v3;
	v0 =	vadd.s32 v44, v1;
	v44 =	vld [tilespmem:$0x3C0]  }
0x9e: {  	[tilespmem:$0xA30] =	vst v46;
	v48 =	vadd.s32 v4, v5;
	v46 =	vld [tilespmem:$0x7C0]  }
0x9f: {  	[tilespmem:$0xA40] =	vst v48;
	v50 =	vadd.s32 v6, v7;
	v48 =	vld [tilespmem:$0x3D0]  }
0xa0: {  	[tilespmem:$0xA50] =	vst v50;
	v50 =	vld [tilespmem:$0x7D0]  }
0xa1: {  	v59 =	vadd.s32 v40, v42;
	[tilespmem:$0xA20] =	vst v0  }
0xa2: {  	[tilespmem:$0xBB0] =	vst v59;
	v62 =	vadd.s32 v18, v62  }
0xa3: {  	[tilespmem:$0xAB0] =	vst v62;
	v62 =	vadd.s32 v52, v54  }
0xa4: {  	[tilespmem:$0xBE0] =	vst v62;
	v60 =	vadd.s32 v44, v46  }
0xa5: {  	[tilespmem:$0xBC0] =	vst v60;
	v61 =	vadd.s32 v48, v50  }
0xa6: {  	[tilespmem:$0xBD0] =	vst v61  }
0xa7: {  	[tilespmem:s12], [sflag:$0x1] =	stream.indirect.gather [hbm4b:s3+s10], $0x38, s11, s10, $0xb8;
	[tilespmem:$0xEC00] =	vst v63  }
0xa8: {  	_ = 	snop  }
0xa9: {  	[tilespmem:s14], [sflag:$0x1] =	stream.indirect.gather [hbm4b:s3+s10], $0x38, s13, s10, $0xb8;
	[tilespmem:$0xEC00] =	vst v63  }
0xaa: {  	_ = 	snop  }
0xab: {  	[tilespmem:s16], [sflag:$0x1] =	stream.indirect.gather [hbm4b:s3+s10], $0x38, s15, s10, $0xb8;
	[tilespmem:$0xEC00] =	vst v63  }
0xac: {  	_ = 	snop  }
0xad: {  	[tilespmem:s18], [sflag:$0x1] =	stream.indirect.gather [hbm4b:s3+s10], $0x38, s17, s10, $0xb8;
	[tilespmem:$0xEC00] =	vst v63  }
0xae: {  	_ = 	snop  }
0xaf: {  	[tilespmem:s20], [sflag:$0x1] =	stream.indirect.gather [hbm4b:s3+s10], $0x38, s19, s10, $0xb8;
	[tilespmem:$0xEC00] =	vst v63  }
0xb0: {  	_ = 	snop  }
0xb1: {  	[tilespmem:s22], [sflag:$0x1] =	stream.indirect.gather [hbm4b:s3+s10], $0x38, s21, s10, $0xb8;
	[tilespmem:$0xEC00] =	vst v63  }
0xb2: {  	_ = 	snop  }
0xb3: {  	[tilespmem:s24], [sflag:$0x1] =	stream.indirect.gather [hbm4b:s3+s10], $0x38, s23, s10, $0xb8;
	[tilespmem:$0xEC00] =	vst v63  }
0xb4: {  	_ = 	snop  }
0xb5: {  	[tilespmem:s26], [sflag:$0x1] =	stream.indirect.gather [hbm4b:s3+s10], $0x38, s25, s10, $0xb8;
	[tilespmem:$0xEC00] =	vst v63  }
0xb6: {  	_ =	swait.ge [sflag:s28], $0x1C00  }
0xb7: {  	[sflag:s28] =	ssyncset.done $0x0  }
0xb8: {  	[sflag:s28] =	ssyncadd.s32 $0xFFFFE400  }
0xb9: {  	_ =	swait.ge [sflag:s28], $0x1C00  }
0xba: {  	[sflag:s28] =	ssyncset.done $0x0  }
0xbb: {  	[sflag:s28] =	ssyncadd.s32 $0xFFFFE400  }
0xbc: {  	_ =	swait.ge [sflag:s28], $0x1C00  }
0xbd: {  	[sflag:s28] =	ssyncset.done $0x0  }
0xbe: {  	[sflag:s28] =	ssyncadd.s32 $0xFFFFE400  }
0xbf: {  	_ =	swait.ge [sflag:s28], $0x1C00  }
0xc0: {  	[sflag:s28] =	ssyncset.done $0x0  }
0xc1: {  	[sflag:s28] =	ssyncadd.s32 $0xFFFFE400  }
0xc2: {  	_ =	swait.ge [sflag:s28], $0x1C00  }
0xc3: {  	[sflag:s28] =	ssyncset.done $0x0  }
0xc4: {  	[sflag:s28] =	ssyncadd.s32 $0xFFFFE400  }
0xc5: {  	_ =	swait.ge [sflag:s28], $0x1C00  }
0xc6: {  	[sflag:s28] =	ssyncset.done $0x0  }
0xc7: {  	[sflag:s28] =	ssyncadd.s32 $0xFFFFE400  }
0xc8: {  	_ =	swait.ge [sflag:s28], $0x1C00  }
0xc9: {  	[sflag:s28] =	ssyncset.done $0x0  }
0xca: {  	[sflag:s28] =	ssyncadd.s32 $0xFFFFE400  }
0xcb: {  	_ =	swait.ge [sflag:s28], $0x1C00  }
0xcc: {  	p0 =	sne.s32 s31, $0x600;
	[sflag:s28] =	ssyncset.done $0x0  }
.Ltmp0:
0xcd: {  	[sflag:s28] =	ssyncadd.s32 $0xFFFFE400;
	(pc) =	sbr.rel @p0 .LBB2_2-.Ltmp0, $4  }
0xce: {  	[hbm4b:s30+s2] =	stream.linear.scatter [tilespmem:s12], [sflag:$0x2], $0xE000, $0x38;
	[tilespmem:$0xEC00] =	vst v63  }
0xcf: {  	_ =	swait.ge [sflag:s8], $0xE000  }
0xd0: {  	[sflag:s8] =	ssyncset.done $0x0  }
0xd1: {  	s31 =	sadd.s32 $0x80, s31;
	s30 =	sadd.s32 $0x1C00, s30;
	[sflag:s8] =	ssyncadd.s32 $0xFFFF2000  }
0xd2: {  	s29 =	sadd.s32 $0x1, s29  }
0xd3: {  	p0 =	sne.s32 s29, s5  }
.Ltmp1:
0xd4: {  	_ = 	snop;
	(pc) =	sbr.rel @p0 .LBB2_1-.Ltmp1, $1  }
0xd5: {  	_ =	sdelay $0x3  }
0xd6: {  	_ =	sfence.sel $0x180000  }
0xd7: {  	[bflag:$0x0] =	sbarrier.arrive $0xFFFF  }
0xd8: {  	_ =	strace $0x9000004A  }
0xd9: {  	[bflag:$0x2] =	sbarrier.arrive $0xFFFF  }
0xda: {  	p0 =	sne.s32 s1, $0x0;
	s0 =	rddreg [dreg:$0x1]  }
0xdb: {  	s0 =	sadd.s32 @!p0 $0x100000, s0  }
0xdc: {  	[sflag:s0] =	ssyncadd.tile.s32 @!p0 $0x1;
	_ =	shalt  }
.Lfunc_end2:
_tile_overlayer_lowered:
.L_overlay_start_2:
0xdd: {  	(tag) =	ssettag $0x2  }
0xde: {  	s0 =	rddreg [dreg:$0x0];
	s2 =	stileid.u32  }
0xdf: {  	s1 =	rddreg [dreg:$0x1];
	p0 =	sne.s32 s2, $0x0  }
0xe0: {  	s3 =	rddreg [dreg:$0x2];
	[bflag:$0x3] =	sbarrier.arrive $0xFFFF;
	s2 =	simm.s32 @!p0 $0x1C02  }
0xe1: {  	[timem:s3], [sflag:s2] =	dma.local @!p0 [hbm:s0], s1  }
0xe2: {  	s0 =	simm.s32 @!p0 $0x2  }
0xe3: {  	_ =	swait.ge @!p0 [sflag:s0], s1  }
0xe4: {  	s1 =	ssub.s32 @!p0 $0x0, s1;
	[sflag:s0] =	ssyncset.done @!p0 $0x0  }
0xe5: {  	[sflag:s0] =	ssyncadd.s32 @!p0 s1  }
0xe6: {  	[bflag:$0x3] =	sbarrier.arrive $0xFFFF  }
0xe7: {  	_ =	shalt  }

// kernel: sparse-core-data-format-call.cloned.1.call-start
scs
called_computation_lowered:
.L_overlay_start_0:
0x0: {  	s2 =	sld [smem:$0x3FD9]  }
0x1: {  	s3 =	sld [smem:$0x3FFE];
	_ =	sdelay $0x1  }
0x2: {  	s1 =	srdreg.scid  }
0x3: {  	s0 =	sand.u32 $0x1, s1  }
0x4: {  	s18 =	sshll.u32 s0, $0xA;
	s2 =	sadd.s32 s3, s2  }
0x5: {  	s2 =	sadd.s32 s2, s18  }
0x6: {  	[smem:$0x3FBA] =	sst s2  }
0x7: {  	_ = 	snop  }
0x8: {  	s2 =	sld [smem:$0x3FC8];
	(tm) =	ssettm $0x1  }
0x9: {  	s19 =	sld [smem:$0x3FFB];
	_ =	sdelay $0x3  }
0xa: {  	_ =	strace s19  }
0xb: {  	s3 =	sld [smem:$0x3FFC];
	_ =	sdelay $0x3  }
0xc: {  	_ =	strace s3  }
0xd: {  	s3 =	sld [smem:$0x3FFD];
	_ =	sdelay $0x3  }
0xe: {  	_ =	strace s3  }
0xf: {  	_ =	strace $0x8FFFFFFF  }
0x10: {  	s20 =	sld [smem:$0x3FDB];
	_ =	sdelay $0x1  }
0x11: {  	s4 =	simm.s32 $_scs_section_size  }
0x12: {  	s5 =	simm.s32 $_size__tile_overlayer_lowered;
	s6 =	simm.s32 $_tile_overlayer_lowered  }
0x13: {  	s23 =	simm.s32 $0x1BFF;
	s22 =	sshll.u32 s6, $0x1;
	s3 =	sadd.s32 s4, s20  }
0x14: {  	s7 =	simm.s32 $0x0;
	s21 =	sshll.u32 s5, $0x1;
	s5 =	sadd.s32 s22, s3  }
0x15: {  	[timem:s7], [sflag:s23] =	dma.local [hbm:s5], s21  }
0x16: {  	_ =	swait.ge [sflag:s23], s21  }
0x17: {  	s4 =	ssub.s32 $0x0, s21;
	[sflag:s23] =	ssyncset.done $0x0  }
0x18: {  	[sflag:s23] =	ssyncadd.s32 s4;
	_ =	sdelay $0x1  }
0x19: {  	s24 =	simm.s32 $0x1B8B  }
0x1a: {  	_ =	swait.ge [sflag:s24], $0x1  }
0x1b: {  	[sflag:s24] =	ssyncset.done $0x0  }
0x1c: {  	s26 =	simm.s32 $0x1B8E;
	s25 =	sld [smem:$0x3FFE];
	[sflag:s24] =	ssyncadd.s32 $0xFFFFFFFF  }
0x1d: {  	s27 =	simm.s32 $execute0_lowered;
	[smem:$0x3FD2] =	sst s26  }
0x1e: {  	s5 =	sshll.u32 s27, $0x1;
	_ =	strace $0x80000046;
	[dreg:$0x1] =	wrdreg $0xFFFFFFFF  }
0x1f: {  	s28 =	simm.s32 $_size_execute0_lowered;
	s3 =	sadd.s32 s3, s5;
	[dreg:$0x0] =	wrdreg $0x0  }
0x20: {  	s5 =	sshll.u32 s28, $0x1;
	[dreg:$0x2] =	wrdreg s3  }
0x21: {  	[dreg:$0x3] =	wrdreg s5  }
0x22: {  	[dreg:$0x4] =	wrdreg $0xC0  }
0x23: {  	_ =	task [dreg:s7], $0x5FFFF  }
0x24: {  	[dreg:$0x1] =	wrdreg $0xFFFFFFFF  }
0x25: {  	[dreg:$0x0] =	wrdreg $0x60  }
0x26: {  	[dreg:$0x2] =	wrdreg s2  }
0x27: {  	[dreg:$0x3] =	wrdreg s25  }
0x28: {  	[dreg:$0x4] =	wrdreg $0x9  }
0x29: {  	_ =	task.clear_ibuf [dreg:s7], $0x5FFFF;
	_ =	strace $0x90000046  }
0x2a: {  	s29 =	simm.s32 $0x9;
	_ =	strace $0x80000048  }
0x2b: {  	_ =	swait.ge [sflag:s29], $0x1  }
0x2c: {  	[sflag:s29] =	ssyncadd.s32 $0xFFFFFFFF  }
0x2d: {  	_ =	strace $0x90000048  }
0x2e: {  	_ =	sfence  }
0x2f: {  	s30 =	sld [smem:$0x0];
	_ =	sdelay $0x2  }
0x30: {  	s31 =	sshll.u32 s1, $0xD;
	s1 =	sshrl.u32 s1, $0x2  }
0x31: {  	s3 =	sand.u32 $0x4000, s31;
	s1 =	sadd.s32 s1, s30  }
0x32: {  	s0 =	sor.u32 s3, s0;
	s1 =	sshll.u32 s1, $0x11  }
0x33: {  	s0 =	sor.u32 s1, s0  }
0x34: {  	s0 =	sadd.s32 $0x8F2B, s0  }
0x35: {  	[sflag:s0] =	ssyncadd.remote.s32 $0x1  }
0x36: {  	_ =	sfence.sel $0xFFFF  }
0x37: {  	[dreg:$0x0] =	wrdreg $0xFFFFFFFF;
	(pc) =	sbr.abs _section_cstart, $3  }
0x38: {  	[dreg:$0x1] =	wrdreg $0xFFFFFFFF  }
0x39: {  	_ =	task.clear_ibuf [dreg:s7], $0x2FFFF;
	_ =	strace $0x9FFFFFFF  }
0x3a: {  	(tm) =	ssettm $0x7FFFFFFF  }
0x3b: {  	_ =	shalt  }
tec
execute0_lowered:
.L_overlay_start_1:
0x0: {  	(tag) =	ssettag $0x1  }
0x1: {  	s0 =	srdreg.scid  }
0x2: {  	s0 =	sshll.u32 s0, $0x4  }
0x3: {  	s1 =	stileid.u32;
	s0 =	sand.u32 $0x10, s0  }
0x4: {  	s28 =	rddreg [dreg:$0x1];
	s0 =	sor.u32 s1, s0  }
0x5: {  	_ =	strace $0x80000047;
	s2 =	simm.s32 $0x1;
	s3 =	sshll.u32 s0, $0x8  }
0x6: {  	s30 =	simm.s32 $0x2;
	s16 =	simm.s32 $0x0;
	s29 =	ssub.s32 $0x18600, s3  }
0x7: {  	s17 =	simm.s32 $0x0;
	s18 =	simm.s32 $0x0;
	s1 =	sshrl.u32 s29, $0xD  }
0x8: {  	s9 =	simm.s32 $0x0;
	s10 =	simm.s32 $0x0;
	s1 =	smul.u32 $0x1A, s1  }
.Ltmp0:
0x9: {  	s12 =	simm.s32 $0x0;
	s0 =	sadd.s32 $0x1800, s28;
	(pc) =	sbr.rel .LBB1_1-.Ltmp0, $4  }
0xa: {  	s13 =	simm.s32 $0x0;
	s14 =	simm.s32 $0x0;
	[dreg:$0x7] =	wrdreg s0  }
0xb: {  	s15 =	simm.s32 $0x0;
	[dreg:$0x6] =	wrdreg s3;
	s31 =	sadd.s32 $0x1A, s1  }
0xc: {  	[sflag:s2] =	ssyncpa.u1 $0x0;
	s8 =	sadd.s32 $0x1B, s1;
	[dreg:$0x8] =	wrdreg s31  }
0xd: {  	[sflag:s30] =	ssyncpa.u1 $0x0;
	s11 =	smov.u32 s3;
	[dreg:$0x9] =	wrdreg s8  }
.LBB1_16:
0xe: {  	s9 =	rddreg [dreg:$0xa]  }
0xf: {  	s10 =	rddreg [dreg:$0xb]  }
0x10: {  	s3 =	rddreg [dreg:$0x15]  }
0x11: {  	s5 =	rddreg [dreg:$0x16]  }
0x12: {  	s23 =	rddreg [dreg:$0x14]  }
0x13: {  	s12 =	rddreg [dreg:$0xd]  }
0x14: {  	s26 =	rddreg [dreg:$0x7]  }
0x15: {  	s29 =	rddreg [dreg:$0x17]  }
0x16: {  	s8 =	rddreg [dreg:$0x9]  }
0x17: {  	s11 =	rddreg [dreg:$0xc]  }
0x18: {  	s13 =	rddreg [dreg:$0xe]  }
0x19: {  	s14 =	rddreg [dreg:$0xf]  }
0x1a: {  	s15 =	rddreg [dreg:$0x10]  }
0x1b: {  	s16 =	rddreg [dreg:$0x11]  }
0x1c: {  	s17 =	rddreg [dreg:$0x12]  }
0x1d: {  	s31 =	simm.s32 $0x80;
	s18 =	rddreg [dreg:$0x13]  }
0x1e: {  	s0 =	sshll.u32 s9, $0x7;
	s1 =	sshll.u32 s10, $0x3;
	p0 =	sgt.s32 s10, $0x40  }
0x1f: {  	s24 =	smul.u32 $0x186A80, s12;
	s2 =	sand.u32 $0xFFFFFC00, s0;
	s1 =	sand.u32 $0xFFFFFC00, s1  }
0x20: {  	s0 =	sand.u32 $0x380, s0;
	s1 =	sadd.s32 s1, s2;
	s2 =	smov.u32 s10  }
0x21: {  	s0 =	sor.u32 s0, s1;
	s2 =	simm.s32 @!p0 $0x40;
	p0 =	sgt.s32 s9, $0x185A8  }
0x22: {  	s1 =	smov.u32 s9;
	s0 =	sshrl.u32 s0, $0x7;
	s2 =	sadd.s32 s3, s2  }
0x23: {  	s1 =	simm.s32 @!p0 $0x185A8;
	s21 =	smulhi.u32 $0xA7C23D, s0;
	s4 =	sadd.s32 $0xFFFFFFC0, s2  }
0x24: {  	s1 =	sadd.s32 s5, s1;
	s2 =	ssub.s32 $0x80, s2;
	p0 =	sgt.s32 s4, $0x3F  }
0x25: {  	s22 =	sadd.s32 $0xFFFE7A58, s1;
	s1 =	ssub.s32 $0x186A8, s1;
	s2 =	simm.s32 @p0 $0x0  }
0x26: {  	s3 =	sshrl.u32 s21, $0x8;
	p0 =	sgt.s32 s22, $0xFF;
	s2 =	smul.u32 s23, s2  }
0x27: {  	s27 =	sand.u32 $0x7, s10;
	s3 =	smul.u32 $0x186A8, s3;
	s1 =	simm.s32 @p0 $0x0  }
0x28: {  	s25 =	sshrl.u32 s10, $0x3;
	s28 =	sshll.u32 s27, $0x12;
	s1 =	smul.u32 s1, s2  }
0x29: {  	s0 =	ssub.s32 s0, s3;
	s3 =	sand.u32 $0xF, s25;
	s2 =	sadd.s32 s26, s24  }
0x2a: {  	s30 =	sor.u32 $0x40, s28;
	s0 =	sshll.u32 s0, $0x4;
	s2 =	sadd.s32 s3, s2  }
0x2b: {  	s4 =	sor.u32 $0x8000, s29;
	s1 =	sand.u32 $0x3FFFFFFF, s1;
	s0 =	sadd.s32 s0, s2  }
0x2c: {  	[hbm4b:s0+s30] =	stream.strided.scatter [tilespmem:s4], [sflag:$0x2], s1, s31, s30, $0x18;
	[tilespmem:$0x10200] =	vst v63  }
.LBB1_17:
0x2d: {  	p0 =	slt.u32 s15, $0x2;
	s0 =	smov.u32 s18;
	s2 =	smov.u32 s17  }
0x2e: {  	p1 =	sgt.s32 @!p0 s18, $0x19;
	s1 =	sshra.s32 @!p0 s18, $0x1F;
	p2 =	sgt.s32 @!p0 s16, $0x185A8  }
0x2f: {  	p3 =	sgt.s32 @!p0 s17, $0x40;
	s3 =	sshra.s32 @!p0 s17, $0x1F;
	p1 =	por !p1, p0  }
0x30: {  	s1 =	sand.u32 @!p0 s1, s18;
	p2 =	por !p2, p0;
	p3 =	por !p3, p0  }
0x31: {  	s3 =	sand.u32 @!p0 s3, s17;
	s0 =	simm.s32 @p1 $0x19;
	s2 =	simm.s32 @p3 $0x40  }
0x32: {  	s0 =	ssub.s32 @!p0 s0, s1;
	s2 =	ssub.s32 @!p0 s2, s3;
	s3 =	sshra.s32 @!p0 s16, $0x1F  }
0x33: {  	s1 =	sadd.s32 @!p0 $0xFFFFFFE7, s0;
	s0 =	ssub.s32 @!p0 $0x1A, s0;
	s3 =	sand.u32 @!p0 s3, s16  }
0x34: {  	s4 =	sadd.s32 @!p0 $0xFFFFFFC0, s2;
	p1 =	sgt.s32 @!p0 s1, $0x0;
	s1 =	smov.u32 s16  }
0x35: {  	s2 =	ssub.s32 @!p0 $0x80, s2;
	s1 =	simm.s32 @p2 $0x185A8;
	p1 =	por !p1, p0  }
0x36: {  	s0 =	simm.s32 @!p1 $0x0;
	s1 =	ssub.s32 @!p0 s1, s3;
	p1 =	sgt.s32 @!p0 s4, $0x3F  }
0x37: {  	s4 =	smov.u32 s13;
	s3 =	sadd.s32 @!p0 $0xFFFE7A58, s1;
	p1 =	por !p1, p0  }
0x38: {  	s1 =	ssub.s32 @!p0 $0x186A8, s1;
	s2 =	simm.s32 @!p1 $0x0;
	p1 =	sgt.s32 @!p0 s3, $0xFF  }
0x39: {  	p1 =	por !p1, p0;
	s0 =	smul.u32 @!p0 s0, s2;
	s2 =	sadd.s32 $0x2000, s11  }
0x3a: {  	s3 =	sadd.s32 $0x40, s13;
	s1 =	simm.s32 @!p1 $0x0;
	p1 =	sgt.s32 s2, $0x186A0  }
0x3b: {  	s0 =	smul.u32 @!p0 s1, s0;
	s4 =	smov.u32 @p1 s3;
	s1 =	rddreg [dreg:$0x6]  }
0x3c: {  	s2 =	smov.u32 @p1 s1;
	p1 =	sgt.s32 s4, $0x31;
	s1 =	simm.s32 $0x1  }
0x3d: {  	s1 =	simm.s32 @!p1 $0x0  }
0x3e: {  	s1 =	sadd.s32 s1, s14  }
0x3f: {  	s17 =	smov.u32 s10;
	s4 =	simm.s32 @p1 $0x0;
	p1 =	sgt.s32 s1, $0x19  }
0x40: {  	s18 =	smov.u32 s12;
	s1 =	simm.s32 @p1 $0x0;
	p1 =	sne.s32 s15, s8  }
.Ltmp1:
0x41: {  	s10 =	smov.u32 s13;
	s12 =	smov.u32 s14;
	(pc) =	sbr.rel @!p1 .LBB1_18-.Ltmp1, $4  }
0x42: {  	s16 =	smov.u32 s9;
	s3 =	simm.s32 @!p0 $0x2;
	s0 =	sand.u32 @!p0 $0x3FFFFFFF, s0  }
0x43: {  	s9 =	smov.u32 s11;
	s11 =	smov.u32 s2;
	_ =	swait.ge @!p0 [sflag:s3], s0  }
0x44: {  	s0 =	ssub.s32 @!p0 $0x0, s0;
	s13 =	smov.u32 s4;
	[sflag:s3] =	ssyncset.done @!p0 $0x0  }
0x45: {  	s15 =	sadd.s32 $0x1, s15;
	[sflag:s3] =	ssyncadd.s32 @!p0 s0;
	s14 =	smov.u32 s1  }
.LBB1_1:
0x46: {  	s0 =	rddreg [dreg:$0x8]  }
0x47: {  	p0 =	sge.u32 s15, s0  }
.Ltmp2:
0x48: {  	_ = 	snop;
	(pc) =	sbr.rel @p0 .LBB1_3-.Ltmp2, $1  }
0x49: {  	_ =	sdelay $0x3  }
0x4a: {  	s0 =	sshrl.u32 s13, $0x3;
	s1 =	sshll.u32 s11, $0x3;
	s20 =	sshll.u32 s13, $0x7  }
0x4b: {  	p0 =	sgt.s32 s14, $0x19;
	s2 =	smov.u32 s14;
	s3 =	sshra.s32 s14, $0x1F  }
0x4c: {  	s22 =	sand.u32 $0x7F, s11;
	s5 =	sshra.s32 s13, $0x1F;
	s29 =	smul.u32 $0xAB100, s14  }
0x4d: {  	s6 =	sshra.s32 s11, $0x1F;
	s28 =	sxor.u32 $0xFFFFFFFF, s15;
	s0 =	smul.u32 $0xC3800, s0  }
0x4e: {  	s30 =	rddreg [dreg:$0x0];
	s1 =	sand.u32 $0xFFFFFC00, s1;
	s2 =	simm.s32 @!p0 $0x19  }
0x4f: {  	s21 =	sand.u32 s3, s14;
	s0 =	sadd.s32 s0, s1;
	s1 =	sand.u32 $0x380, s20  }
0x50: {  	s5 =	sand.u32 s5, s13;
	s0 =	sor.u32 s1, s0;
	s1 =	ssub.s32 s2, s21  }
0x51: {  	s6 =	sand.u32 s6, s11;
	s4 =	smulhi.u32 $0xA79C7B17, s0;
	s2 =	sadd.s32 $0xFFFFFFE7, s1  }
0x52: {  	s0 =	sor.u32 s22, s0;
	s1 =	ssub.s32 $0x1A, s1;
	p0 =	sgt.s32 s2, $0x0  }
0x53: {  	s2 =	smov.u32 s13;
	s1 =	simm.s32 @p0 $0x0;
	p0 =	sgt.s32 s13, $0xFFFFFFF8  }
0x54: {  	s24 =	smulhi.u32 $0xA79C7B17, s0;
	s23 =	sshrl.u32 s4, $0x13;
	s2 =	simm.s32 @!p0 $0xFFFFFFF8  }
0x55: {  	s3 =	smul.u32 $0x2493, s23;
	p0 =	sgt.s32 s11, $0x18600;
	s2 =	ssub.s32 s2, s5  }
0x56: {  	s27 =	sshrl.u32 s24, $0x10;
	s5 =	smov.u32 s11;
	s7 =	sadd.s32 $0x8, s2  }
0x57: {  	s5 =	simm.s32 @!p0 $0x18600;
	s2 =	ssub.s32 $0x38, s2;
	p0 =	sgt.s32 s7, $0x3F  }
0x58: {  	s26 =	sshrl.u32 s3, $0x10;
	s3 =	smul.u32 $0x18700, s27;
	s2 =	simm.s32 @p0 $0x0  }
0x59: {  	s31 =	simm.s32 $0xC3800;
	s5 =	ssub.s32 s5, s6;
	s1 =	smul.u32 s1, s2  }
0x5a: {  	s4 =	sshrl.u32 s4, $0x10;
	s25 =	sadd.s32 $0xFFFE7A00, s5;
	s2 =	smul.u32 $0x38, s26  }
0x5b: {  	s5 =	ssub.s32 $0x18700, s5;
	s0 =	ssub.s32 s0, s3;
	p0 =	sgt.s32 s25, $0xFF  }
0x5c: {  	s3 =	sshrl.u32 s0, $0x3;
	s5 =	simm.s32 @p0 $0x0;
	s2 =	ssub.s32 s4, s2  }
0x5d: {  	s0 =	sand.u32 $0x7, s0;
	s1 =	smul.u32 s5, s1;
	s2 =	sand.u32 $0xFFFF, s2  }
0x5e: {  	s0 =	sshll.u32 s0, $0x12;
	s5 =	sadd.s32 s30, s29;
	s2 =	smul.u32 $0x30E0, s2  }
0x5f: {  	s4 =	sshll.u32 s28, $0xE;
	s0 =	sor.u32 $0x800, s0;
	s3 =	sadd.s32 s3, s5  }
0x60: {  	s4 =	sand.u32 $0x4000, s4;
	s1 =	sand.u32 $0x3FFFFFFF, s1;
	s2 =	sadd.s32 s2, s3  }
0x61: {  	[tilespmem:s4], [sflag:$0x1] =	stream.strided.gather [hbm4b:s2+s0], s1, s31, s0, $0x38;
	[tilespmem:$0x10200] =	vst v63  }
.LBB1_3:
0x62: {  	p0 =	seq.s32 s15, $0x0  }
0x63: {  	p1 =	sge.u32 @!p0 s15, s8  }
0x64: {  	p0 =	por p0, p1  }
.Ltmp3:
0x65: {  	_ = 	snop;
	(pc) =	sbr.rel @p0 .LBB1_17-.Ltmp3, $1  }
0x66: {  	_ =	sdelay $0x3  }
0x67: {  	[dreg:$0x13] =	wrdreg s18  }
0x68: {  	[dreg:$0x12] =	wrdreg s17  }
0x69: {  	[dreg:$0x11] =	wrdreg s16  }
0x6a: {  	[dreg:$0xf] =	wrdreg s14  }
0x6b: {  	[dreg:$0xe] =	wrdreg s13  }
0x6c: {  	[dreg:$0xc] =	wrdreg s11;
	p0 =	sgt.s32 s12, $0x19  }
0x6d: {  	s0 =	smov.u32 s12;
	s1 =	sshra.s32 s12, $0x1F;
	s25 =	ssub.s32 $0x0, s10  }
0x6e: {  	s2 =	sshra.s32 s10, $0x1F;
	s3 =	smov.u32 s10;
	p1 =	sgt.s32 s9, $0x18600  }
0x6f: {  	s27 =	ssub.s32 $0x0, s9;
	[dreg:$0xa] =	wrdreg s9;
	s28 =	sshra.s32 s9, $0x1F  }
0x70: {  	[dreg:$0xd] =	wrdreg s12;
	s0 =	simm.s32 @!p0 $0x19;
	s1 =	sand.u32 s1, s12  }
0x71: {  	p0 =	sgt.s32 s10, $0xFFFFFFF8;
	s29 =	sand.u32 s27, s28;
	s0 =	ssub.s32 s0, s1  }
0x72: {  	s1 =	sand.u32 s25, s2;
	s3 =	simm.s32 @!p0 $0xFFFFFFF8;
	s2 =	smov.u32 s9  }
0x73: {  	s4 =	sadd.s32 $0xFFFFFFE7, s0;
	[dreg:$0x15] =	wrdreg s1;
	s1 =	sadd.s32 s1, s3  }
0x74: {  	s5 =	ssub.s32 $0x1A, s0;
	s2 =	simm.s32 @!p1 $0x18600;
	p0 =	sgt.s32 s4, $0x0  }
0x75: {  	s26 =	sadd.s32 $0x8, s1;
	s0 =	ssub.s32 $0x38, s1;
	s1 =	sadd.s32 s29, s2  }
0x76: {  	[dreg:$0xb] =	wrdreg s10;
	s5 =	simm.s32 @p0 $0x0;
	s2 =	sadd.s32 $0xFFFE7A00, s1  }
0x77: {  	s1 =	ssub.s32 $0x18700, s1;
	p0 =	sgt.s32 s2, $0xFF;
	s2 =	sadd.s32 $0x1, s12  }
0x78: {  	s3 =	sadd.s32 $0x40, s10;
	s1 =	simm.s32 @p0 $0x0;
	p0 =	slt.s32 s2, $0x1A  }
0x79: {  	p1 =	sgt.s32 s26, $0x3F;
	s2 =	simm.s32 @!p0 $0x1A;
	p0 =	slt.s32 s3, $0x32  }
0x7a: {  	s0 =	simm.s32 @p1 $0x0;
	s2 =	ssub.s32 s2, s12;
	s3 =	simm.s32 @!p0 $0x32  }
0x7b: {  	s0 =	smul.u32 s5, s0;
	s25 =	ssub.s32 s3, s10;
	p0 =	slt.s32 s2, $0x1  }
0x7c: {  	[dreg:$0x10] =	wrdreg s15;
	p1 =	slt.s32 @!p0 s25, $0x1  }
0x7d: {  	[dreg:$0x16] =	wrdreg s29;
	s0 =	smul.u32 s1, s0;
	p1 =	por p0, p1  }
.Ltmp4:
0x7e: {  	s30 =	simm.s32 $0x1;
	[dreg:$0x14] =	wrdreg s5;
	(pc) =	sbr.rel @p1 .LBB1_16-.Ltmp4, $4  }
0x7f: {  	[dreg:$0x18] =	wrdreg s2;
	s1 =	sand.u32 $0x3FFFFFFF, s0;
	s0 =	sand.u32 $0x1, s15  }
0x80: {  	_ =	swait.ge [sflag:s30], s1;
	s31 =	smul.u32 $0x4100, s0  }
0x81: {  	s1 =	ssub.s32 $0x0, s1;
	[sflag:s30] =	ssyncset.done $0x0  }
0x82: {  	[sflag:s30] =	ssyncadd.s32 s1;
	[dreg:$0x17] =	wrdreg s31  }
0x83: {  	s2 =	rddreg [dreg:$0xa]  }
0x84: {  	s1 =	sadd.s32 $0x100, s2  }
0x85: {  	p1 =	slt.s32 s1, $0x186A1  }
0x86: {  	s28 =	sshll.u32 @!p0 s0, $0xE;
	s1 =	simm.s32 @!p1 $0x186A1  }
.Ltmp5:
0x87: {  	s0 =	rddreg [dreg:$0x17];
	s1 =	ssub.s32 s1, s2;
	(pc) =	sbr.rel .LBB1_6-.Ltmp5, $4  }
0x88: {  	s0 =	sor.u32 @!p0 $0x8000, s0;
	s1 =	sadd.s32 $0xF, s1  }
0x89: {  	s3 =	simm.s32 $0x0;
	[dreg:$0x19] =	wrdreg s0;
	s30 =	sshll.u32 s1, $0x3  }
0x8a: {  	s26 =	sand.u32 $0xFFFFFFF0, s1;
	s27 =	sand.u32 @!p0 $0xFFFFFF00, s1;
	s31 =	sand.u32 $0xFFFFF800, s30  }
0x8b: {  	p0 =	slt.s32 s1, $0x100;
	p1 =	sge.s32 s27, s26;
	[dreg:$0x1a] =	wrdreg s31  }
.LBB1_15:
0x8c: {  	s3 =	rddreg [dreg:$0x1b]  }
0x8d: {  	s0 =	rddreg [dreg:$0x18];
	s3 =	sadd.s32 $0x1, s3  }
0x8e: {  	p2 =	sne.s32 s3, s0  }
.Ltmp6:
0x8f: {  	_ = 	snop;
	(pc) =	sbr.rel @!p2 .LBB1_16-.Ltmp6, $1  }
0x90: {  	_ =	sdelay $0x3  }
.LBB1_6:
0x91: {  	s0 =	smul.u32 $0x10400, s3;
	s30 =	sshll.u32 s3, $0xE  }
.Ltmp7:
0x92: {  	v0 =	vmov s30;
	(pc) =	sbr.rel .LBB1_7-.Ltmp7, $4  }
0x93: {  	s2 =	sshll.u32 s3, $0x10  }
0x94: {  	s1 =	rddreg [dreg:$0x19];
	s31 =	sshra.s32 s2, $0x2;
	s0 =	sshra.s32 s0, $0x2  }
0x95: {  	[dreg:$0x1b] =	wrdreg s3;
	s1 =	sadd.s32 s0, s1;
	s0 =	sadd.s32 s31, s28  }
0x96: {  	s29 =	simm.s32 $0x0;
	s8 =	simm.s32 $0x0;
	[dreg:$0x1c] =	wrdreg s0  }
.LBB1_14:
0x97: {  	s8 =	sadd.s32 $0x1, s8  }
0x98: {  	p2 =	sne.s32 s8, s25  }
.Ltmp8:
0x99: {  	_ = 	snop;
	(pc) =	sbr.rel @!p2 .LBB1_15-.Ltmp8, $2  }
0x9a: {  	_ =	sdelay $0x2  }
0x9b: {  	s29 =	sadd.s32 $0x100, s29  }
.LBB1_7:
.Ltmp9:
0x9c: {  	(pc) =	sbr.rel @p0 .LBB1_11-.Ltmp9, $2  }
0x9d: {  	_ =	sdelay $0x2  }
0x9e: {  	s9 =	sshll.u32 s8, $0x7  }
0x9f: {  	s7 =	sshll.u32 s8, $0x3  }
0xa0: {  	s2 =	sshll.u32 s8, $0x8;
	s5 =	sand.u32 $0x300, s9;
	s14 =	sand.u32 $0x7F, s8  }
0xa1: {  	s10 =	sshrl.u32 s7, $0x7;
	s6 =	sadd.s32 $0x800, s7;
	s12 =	sadd.s32 $0x1000, s7  }
0xa2: {  	s13 =	sadd.s32 $0x1800, s7;
	s17 =	sadd.s32 $0x2000, s7;
	s20 =	sadd.s32 $0x2800, s7  }
0xa3: {  	s11 =	sand.u32 $0xF8, s10;
	s6 =	sshrl.u32 s6, $0x7;
	s12 =	sshrl.u32 s12, $0x7  }
0xa4: {  	s13 =	sshrl.u32 s13, $0x7;
	s3 =	smul.u32 $0x104, s11;
	s6 =	sand.u32 $0xF8, s6  }
0xa5: {  	s19 =	sshrl.u32 s17, $0x7;
	s12 =	sand.u32 $0xF8, s12;
	s6 =	smul.u32 $0x104, s6  }
0xa6: {  	s0 =	sadd.s32 $0x90, s10;
	s13 =	sand.u32 $0xF8, s13;
	s12 =	smul.u32 $0x104, s12  }
0xa7: {  	s11 =	sxor.u32 $0x80, s11;
	s13 =	smul.u32 $0x104, s13;
	s3 =	sshrl.u32 s3, $0x2  }
0xa8: {  	s11 =	smul.u32 $0x104, s11;
	s3 =	sadd.s32 s3, s1;
	s6 =	sshrl.u32 s6, $0x2  }
0xa9: {  	s12 =	sshrl.u32 s12, $0x2;
	s16 =	sshrl.u32 s13, $0x2;
	s13 =	sshrl.u32 s20, $0x7  }
0xaa: {  	s11 =	sshrl.u32 s11, $0x2;
	s3 =	sadd.s32 s14, s3;
	s6 =	sadd.s32 s6, s1  }
0xab: {  	s15 =	sadd.s32 s12, s1;
	s18 =	sadd.s32 s16, s1;
	s12 =	sand.u32 $0xF8, s19  }
0xac: {  	s13 =	sand.u32 $0xF8, s13;
	s11 =	sadd.s32 s11, s1;
	s19 =	sadd.s32 $0xC0, s10  }
0xad: {  	[dreg:$0x3] =	wrdreg s3;
	s3 =	sadd.s32 s14, s6;
	s12 =	smul.u32 $0x104, s12  }
0xae: {  	s13 =	smul.u32 $0x104, s13;
	[dreg:$0x4] =	wrdreg s3;
	s3 =	sadd.s32 s14, s15  }
0xaf: {  	s15 =	sadd.s32 $0x3000, s7;
	s7 =	sadd.s32 $0x3800, s7;
	[dreg:$0x5] =	wrdreg s3  }
0xb0: {  	s3 =	sadd.s32 s14, s18;
	s15 =	sshrl.u32 s15, $0x7;
	s7 =	sshrl.u32 s7, $0x7  }
0xb1: {  	s12 =	sshrl.u32 s12, $0x2;
	s13 =	sshrl.u32 s13, $0x2;
	s15 =	sand.u32 $0xF8, s15  }
0xb2: {  	s7 =	sand.u32 $0xF8, s7;
	s12 =	sadd.s32 s12, s1;
	s15 =	smul.u32 $0x104, s15  }
0xb3: {  	s21 =	sadd.s32 s13, s1;
	s13 =	sadd.s32 $0xA0, s10;
	s16 =	smul.u32 $0x104, s7  }
0xb4: {  	s7 =	sadd.s32 s14, s12;
	s23 =	sadd.s32 s14, s21;
	s12 =	sand.u32 $0xF8, s0  }
0xb5: {  	s22 =	sshrl.u32 s15, $0x2;
	s30 =	sshrl.u32 s16, $0x2;
	s16 =	sor.u32 $0x400, s2  }
0xb6: {  	s2 =	smul.u32 $0x104, s12;
	s12 =	sand.u32 $0xF8, s13;
	s15 =	sadd.s32 $0xB0, s10  }
0xb7: {  	s24 =	sadd.s32 s22, s1;
	s31 =	sadd.s32 s30, s1;
	s12 =	smul.u32 $0x104, s12  }
0xb8: {  	s22 =	sadd.s32 s14, s11;
	s17 =	sand.u32 $0xF8, s15;
	s30 =	sadd.s32 $0xE0, s10  }
0xb9: {  	s21 =	sadd.s32 s14, s24;
	s20 =	sadd.s32 s14, s31;
	s2 =	sshrl.u32 s2, $0x2  }
0xba: {  	s11 =	smul.u32 $0x104, s17;
	s24 =	sadd.s32 $0xD0, s10;
	s15 =	sand.u32 $0xF8, s30  }
0xbb: {  	s10 =	sadd.s32 $0xF0, s10;
	s2 =	sadd.s32 s2, s1;
	s12 =	sshrl.u32 s12, $0x2  }
0xbc: {  	s13 =	sand.u32 $0xF8, s24;
	s24 =	smul.u32 $0x104, s15;
	s10 =	sand.u32 $0xF8, s10  }
0xbd: {  	s17 =	sadd.s32 s14, s2;
	s18 =	sadd.s32 s12, s1;
	s13 =	smul.u32 $0x104, s13  }
0xbe: {  	s11 =	sshrl.u32 s11, $0x2;
	s12 =	sand.u32 $0xF8, s19;
	s10 =	smul.u32 $0x104, s10  }
0xbf: {  	s12 =	smul.u32 $0x104, s12;
	s11 =	sadd.s32 s11, s1;
	s18 =	sadd.s32 s14, s18  }
0xc0: {  	s0 =	sshrl.u32 s24, $0x2;
	s15 =	sadd.s32 s14, s11;
	s31 =	sshrl.u32 s13, $0x2  }
0xc1: {  	s10 =	sshrl.u32 s10, $0x2;
	s11 =	sadd.s32 s0, s1;
	s12 =	sshrl.u32 s12, $0x2  }
0xc2: {  	s2 =	sadd.s32 s31, s1;
	s10 =	sadd.s32 s10, s1;
	s12 =	sadd.s32 s12, s1  }
0xc3: {  	s13 =	sadd.s32 s14, s11;
	s11 =	sand.u32 $0x3800, s29;
	s19 =	sadd.s32 s14, s12  }
0xc4: {  	s12 =	sadd.s32 s14, s2;
	s14 =	sadd.s32 s14, s10;
	s10 =	sand.u32 $0x3C00, s16  }
0xc5: {  	s4 =	sand.u32 $0x380, s9;
	s30 =	sadd.s32 s11, s28;
	s2 =	sadd.s32 s10, s28  }
0xc6: {  	s6 =	sand.u32 $0x80, s9;
	s31 =	sadd.s32 s4, s30;
	s24 =	sadd.s32 s5, s2  }
0xc7: {  	v2 =	vld.idx.msk [tilespmem:v0+s31+$0x0 ss:$0x1], $0xffff;
	s10 =	sadd.s32 s6, s24;
	s24 =	sadd.s32 s5, s30  }
0xc8: {  	v1 =	vld.idx.msk [tilespmem:v0+s10+$0x70 ss:$0x1], $0xffff;
	s0 =	sadd.s32 s6, s24  }
0xc9: {  	v3 =	vld.idx.msk [tilespmem:v0+s0+$0x70 ss:$0x1], $0xffff  }
0xca: {  	v7 =	vld.idx.msk [tilespmem:v0+s0+$0x10 ss:$0x1], $0xffff  }
0xcb: {  	v8 =	vld.idx.msk [tilespmem:v0+s0+$0x20 ss:$0x1], $0xffff  }
0xcc: {  	s30 =	rddreg [dreg:$0x3];
	v9 =	vld.idx.msk [tilespmem:v0+s0+$0x30 ss:$0x1], $0xffff  }
0xcd: {  	p2 =	sgt.s32 s27, $0x100;
	s31 =	rddreg [dreg:$0x4];
	v5 =	vld.idx.msk [tilespmem:v0+s0+$0x40 ss:$0x1], $0xffff;
	[tilespmem:s30+$0x0 ss:$0x41] =	vst.msk $0xffff, v2  }
.Ltmp10:
0xce: {  	v6 =	vld.idx.msk [tilespmem:v0+s0+$0x50 ss:$0x1], $0xffff;
	[tilespmem:s14+$0x0 ss:$0x41] =	vst.msk $0xffff, v1;
	(pc) =	sbr.rel @!p2 .LBB1_10-.Ltmp10, $4  }
0xcf: {  	v4 =	vld.idx.msk [tilespmem:v0+s0+$0x60 ss:$0x1], $0xffff;
	s24 =	rddreg [dreg:$0x5];
	[tilespmem:s20+$0x0 ss:$0x41] =	vst.msk $0xffff, v3  }
0xd0: {  	v2 =	vld.idx.msk [tilespmem:v0+s10+$0x10 ss:$0x1], $0xffff;
	[tilespmem:s31+$0x0 ss:$0x41] =	vst.msk $0xffff, v7  }
0xd1: {  	s16 =	sadd.s32 $0x800, s16;
	v1 =	vld.idx.msk [tilespmem:v0+s10+$0x20 ss:$0x1], $0xffff;
	[tilespmem:s3+$0x0 ss:$0x41] =	vst.msk $0xffff, v9  }
0xd2: {  	s11 =	sadd.s32 s4, s2;
	s2 =	smov.u32 s29;
	v3 =	vld.idx.msk [tilespmem:v0+s10+$0x30 ss:$0x1], $0xffff;
	[tilespmem:s24+$0x0 ss:$0x41] =	vst.msk $0xffff, v8;
	s24 =	simm.s32 $0x100  }
.LBB1_9:
0xd3: {  	s31 =	sand.u32 $0x3C00, s16;
	v7 =	vld.idx.msk [tilespmem:v0+s11+$0x0 ss:$0x1], $0xffff;
	[tilespmem:s7+$0x0 ss:$0x41] =	vst.msk $0xffff, v5  }
0xd4: {  	s2 =	sadd.s32 $0x800, s2;
	s31 =	sadd.s32 s31, s28;
	v5 =	vld.idx.msk [tilespmem:v0+s10+$0x40 ss:$0x1], $0xffff;
	[tilespmem:s23+$0x0 ss:$0x41] =	vst.msk $0xffff, v6  }
0xd5: {  	s30 =	sand.u32 $0x3800, s2;
	s0 =	sadd.s32 s5, s31;
	v6 =	vld.idx.msk [tilespmem:v0+s10+$0x50 ss:$0x1], $0xffff;
	[tilespmem:s21+$0x0 ss:$0x41] =	vst.msk $0xffff, v4  }
0xd6: {  	s30 =	sadd.s32 s30, s28;
	v4 =	vld.idx.msk [tilespmem:v0+s10+$0x60 ss:$0x1], $0xffff;
	s10 =	sadd.s32 s6, s0;
	[tilespmem:s17+$0x0 ss:$0x41] =	vst.msk $0xffff, v2  }
0xd7: {  	s0 =	sadd.s32 s4, s30;
	s30 =	sadd.s32 s5, s30;
	[tilespmem:s18+$0x0 ss:$0x41] =	vst.msk $0xffff, v1;
	v2 =	vld.idx.msk [tilespmem:v0+s10+$0x70 ss:$0x1], $0xffff  }
0xd8: {  	[tilespmem:s15+$0x0 ss:$0x41] =	vst.msk $0xffff, v3;
	v1 =	vld.idx.msk [tilespmem:v0+s0+$0x0 ss:$0x1], $0xffff;
	s0 =	sadd.s32 s6, s30  }
0xd9: {  	[tilespmem:s22+$0x0 ss:$0x41] =	vst.msk $0xffff, v7;
	v3 =	vld.idx.msk [tilespmem:v0+s0+$0x70 ss:$0x1], $0xffff  }
0xda: {  	v8 =	vld.idx.msk [tilespmem:v0+s0+$0x10 ss:$0x1], $0xffff;
	[tilespmem:s19+$0x0 ss:$0x41] =	vst.msk $0xffff, v5  }
0xdb: {  	v9 =	vld.idx.msk [tilespmem:v0+s0+$0x20 ss:$0x1], $0xffff;
	[tilespmem:s12+$0x0 ss:$0x41] =	vst.msk $0xffff, v6  }
0xdc: {  	s24 =	sadd.s32 $0x100, s24;
	v10 =	vld.idx.msk [tilespmem:v0+s0+$0x30 ss:$0x1], $0xffff;
	[tilespmem:s13+$0x0 ss:$0x41] =	vst.msk $0xffff, v4  }
0xdd: {  	p2 =	slt.s32 s24, s27;
	s30 =	rddreg [dreg:$0x3];
	v5 =	vld.idx.msk [tilespmem:v0+s0+$0x40 ss:$0x1], $0xffff;
	[tilespmem:s14+$0x0 ss:$0x41] =	vst.msk $0xffff, v2  }
.Ltmp11:
0xde: {  	v6 =	vld.idx.msk [tilespmem:v0+s0+$0x50 ss:$0x1], $0xffff;
	[tilespmem:s30+$0x0 ss:$0x41] =	vst.msk $0xffff, v1;
	(pc) =	sbr.rel @p2 .LBB1_9-.Ltmp11, $4  }
0xdf: {  	s11 =	sadd.s32 s4, s31;
	s31 =	rddreg [dreg:$0x4];
	v4 =	vld.idx.msk [tilespmem:v0+s0+$0x60 ss:$0x1], $0xffff;
	[tilespmem:s20+$0x0 ss:$0x41] =	vst.msk $0xffff, v3  }
0xe0: {  	s30 =	rddreg [dreg:$0x5];
	v2 =	vld.idx.msk [tilespmem:v0+s10+$0x10 ss:$0x1], $0xffff;
	[tilespmem:s31+$0x0 ss:$0x41] =	vst.msk $0xffff, v8  }
0xe1: {  	v1 =	vld.idx.msk [tilespmem:v0+s10+$0x20 ss:$0x1], $0xffff;
	[tilespmem:s30+$0x0 ss:$0x41] =	vst.msk $0xffff, v9  }
0xe2: {  	s16 =	sadd.s32 $0x800, s16;
	[tilespmem:s3+$0x0 ss:$0x41] =	vst.msk $0xffff, v10;
	v3 =	vld.idx.msk [tilespmem:v0+s10+$0x30 ss:$0x1], $0xffff  }
.LBB1_10:
0xe3: {  	_ =	sdelay $0x2  }
0xe4: {  	[tilespmem:s7+$0x0 ss:$0x41] =	vst.msk $0xffff, v5  }
0xe5: {  	v61 =	vld.idx.msk [tilespmem:v0+s10+$0x40 ss:$0x1], $0xffff;
	[tilespmem:s23+$0x0 ss:$0x41] =	vst.msk $0xffff, v6  }
0xe6: {  	v62 =	vld.idx.msk [tilespmem:v0+s10+$0x50 ss:$0x1], $0xffff;
	[tilespmem:s21+$0x0 ss:$0x41] =	vst.msk $0xffff, v4  }
0xe7: {  	v63 =	vld.idx.msk [tilespmem:v0+s10+$0x60 ss:$0x1], $0xffff;
	[tilespmem:s17+$0x0 ss:$0x41] =	vst.msk $0xffff, v2  }
0xe8: {  	v2 =	vld.idx.msk [tilespmem:v0+s11+$0x0 ss:$0x1], $0xffff;
	[tilespmem:s18+$0x0 ss:$0x41] =	vst.msk $0xffff, v1  }
0xe9: {  	[tilespmem:s15+$0x0 ss:$0x41] =	vst.msk $0xffff, v3  }
0xea: {  	[tilespmem:s19+$0x0 ss:$0x41] =	vst.msk $0xffff, v61  }
0xeb: {  	[tilespmem:s12+$0x0 ss:$0x41] =	vst.msk $0xffff, v62  }
0xec: {  	[tilespmem:s13+$0x0 ss:$0x41] =	vst.msk $0xffff, v63  }
0xed: {  	[tilespmem:s22+$0x0 ss:$0x41] =	vst.msk $0xffff, v2  }
.LBB1_11:
.Ltmp12:
0xee: {  	(pc) =	sbr.rel @p1 .LBB1_14-.Ltmp12, $1  }
0xef: {  	_ =	sdelay $0x3  }
0xf0: {  	s2 =	sshrl.u32 s8, $0x4;
	s3 =	sand.u32 $0x3800, s29;
	s0 =	rddreg [dreg:$0x1c]  }
0xf1: {  	s4 =	sand.u32 $0x300, s9;
	s5 =	sand.u32 $0x80, s9;
	s31 =	rddreg [dreg:$0x1a]  }
0xf2: {  	s6 =	sand.u32 $0x7F, s8;
	s4 =	sadd.s32 s4, s0;
	s3 =	sadd.s32 s3, s31  }
0xf3: {  	s4 =	sadd.s32 s5, s4;
	s5 =	sadd.s32 s6, s1;
	s6 =	smov.u32 s27  }
.LBB1_13:
0xf4: {  	s0 =	sand.u32 $0x3C00, s3  }
0xf5: {  	s7 =	sand.u32 $0x70, s6;
	s30 =	sadd.s32 s6, s2;
	s0 =	sadd.s32 s0, s4  }
0xf6: {  	s6 =	sadd.s32 $0x10, s6;
	s31 =	sand.u32 $0xF8, s30;
	s0 =	sadd.s32 s7, s0  }
0xf7: {  	p2 =	slt.s32 s6, s26;
	v1 =	vld [tilespmem:s0+$0x0];
	s0 =	smul.u32 $0x104, s31  }
.Ltmp13:
0xf8: {  	_ = 	snop;
	(pc) =	sbr.rel @p2 .LBB1_13-.Ltmp13, $4  }
0xf9: {  	_ = 	snop  }
0xfa: {  	s0 =	sshrl.u32 s0, $0x2  }
0xfb: {  	s0 =	sadd.s32 s0, s5  }
0xfc: {  	s3 =	sadd.s32 $0x80, s3;
	[tilespmem:s0+$0x0 ss:$0x41] =	vst.msk $0xffff, v1  }
.Ltmp14:
0xfd: {  	_ = 	snop;
	(pc) =	sbr.rel .LBB1_14-.Ltmp14, $1  }
0xfe: {  	_ =	sdelay $0x3  }
.LBB1_18:
0xff: {  	_ =	sfence.sel $0x180000  }
0x100: {  	s0 =	simm.s32 $0x1;
	[bflag:$0x0] =	sbarrier.arrive $0xFFFF  }
0x101: {  	s30 =	simm.s32 $0x2;
	[sflag:s0] =	ssyncpa.u1 $0x1  }
0x102: {  	[sflag:s30] =	ssyncpa.u1 $0x1  }
0x103: {  	_ =	strace $0x90000047  }
0x104: {  	s31 =	stileid.u32;
	[bflag:$0x2] =	sbarrier.arrive $0xFFFF  }
0x105: {  	p0 =	sne.s32 s31, $0x0;
	s0 =	rddreg [dreg:$0x2]  }
0x106: {  	s0 =	sadd.s32 @!p0 $0x100000, s0  }
0x107: {  	[sflag:s0] =	ssyncadd.tile.s32 @!p0 $0x1;
	_ =	shalt  }
.Lfunc_end1:
_tile_overlayer_lowered:
.L_overlay_start_2:
0x108: {  	(tag) =	ssettag $0x2  }
0x109: {  	s0 =	rddreg [dreg:$0x0];
	s2 =	stileid.u32  }
0x10a: {  	s1 =	rddreg [dreg:$0x1];
	p0 =	sne.s32 s2, $0x0  }
0x10b: {  	s3 =	rddreg [dreg:$0x2];
	[bflag:$0x3] =	sbarrier.arrive $0xFFFF;
	s2 =	simm.s32 @!p0 $0x1C01  }
0x10c: {  	[timem:s3], [sflag:s2] =	dma.local @!p0 [hbm:s0], s1  }
0x10d: {  	s0 =	simm.s32 @!p0 $0x1  }
0x10e: {  	_ =	swait.ge @!p0 [sflag:s0], s1  }
0x10f: {  	s1 =	ssub.s32 @!p0 $0x0, s1;
	[sflag:s0] =	ssyncset.done @!p0 $0x0  }
0x110: {  	[sflag:s0] =	ssyncadd.s32 @!p0 s1  }
0x111: {  	[bflag:$0x3] =	sbarrier.arrive $0xFFFF  }
0x112: {  	_ =	shalt  }

</sc_bundles>
